<compile_context>
chip_gen: v7x
topology: tpu7x:2x2x1
jax: 0.10.2.dev20260603
libtpu: 0.0.44.dev20260713+nightly
codegen_flags: <defaults>
</compile_context>

<pallas_src>
import functools

import jax
import jax.numpy as jnp
from jax import lax
from jax.experimental import pallas as pl
from jax.experimental.pallas import tpu as pltpu
from jax.experimental.pallas import tpu_sc as plsc

CHUNK = 128
NBUF = 5


@functools.lru_cache(maxsize=None)
def _emb_lookup(NB, H, V, D):
    info = plsc.get_sparse_core_info()
    NC, NS = info.num_cores, info.num_subcores
    NW = NC * NS
    assert NB % (NW * CHUNK) == 0
    nchunks = H
    assert nchunks % NBUF == 0
    nrounds = nchunks // NBUF
    mesh = plsc.VectorSubcoreMesh(core_axis_name="c", subcore_axis_name="s")

    @functools.partial(
        pl.kernel,
        mesh=mesh,
        out_type=jax.ShapeDtypeStruct((H * NB, D), jnp.float32),
        scratch_types=[
            pltpu.VMEM((H, CHUNK), jnp.int32),
            pltpu.VMEM((NBUF, CHUNK, D), jnp.float32),
            pltpu.VMEM_SHARED((V, D), jnp.float32),
            [pltpu.SemaphoreType.DMA] * NBUF,
            [pltpu.SemaphoreType.DMA] * NBUF,
        ],
        compiler_params=pltpu.CompilerParams(use_tc_tiling_on_sc=True),
    )
    def k(xt_hbm, table_hbm, out_hbm, idx_v, rows_v, table_sp, gsems, osems):
        sid = lax.axis_index("s")
        wid = sid * NC + lax.axis_index("c")

        @pl.when(sid == 0)
        def _():
            pltpu.sync_copy(table_hbm, table_sp)

        pltpu.sync_copy(xt_hbm.at[:, pl.ds(wid * CHUNK, CHUNK)], idx_v)
        plsc.subcore_barrier()

        def out_slice(h):
            return out_hbm.at[pl.ds(h * NB + wid * CHUNK, CHUNK)]

        def gather(h, b):
            return pltpu.async_copy(
                table_sp.at[idx_v.at[h]], rows_v.at[b], gsems[b]
            )

        def write(h, b):
            return pltpu.async_copy(rows_v.at[b], out_slice(h), osems[b])

        for b in range(NBUF):
            gather(b, b)

        def body(i, carry):
            h0 = i * NBUF
            for b in range(NBUF):
                pltpu.make_async_copy(
                    table_sp.at[idx_v.at[h0 + b]], rows_v.at[b], gsems[b]
                ).wait()
                write(h0 + b, b)

            @pl.when(i + 1 < nrounds)
            def _():
                for b in range(NBUF):
                    pltpu.make_async_copy(
                        rows_v.at[b], out_slice(h0 + b), osems[b]
                    ).wait()
                    gather(h0 + NBUF + b, b)

            return carry

        lax.fori_loop(0, nrounds, body, 0)

        for b in range(NBUF):
            pltpu.make_async_copy(
                rows_v.at[b], out_slice(nchunks - NBUF + b), osems[b]
            ).wait()

    return k


def kernel(x, table):
    NB, H = x.shape
    V, D = table.shape
    out = _emb_lookup(NB, H, V, D)(x.T, table)
    return out.reshape(H, NB, D).transpose(1, 0, 2)

# --- scband reference (transcript-rebuilt; emitter-appended) ---
"""Pipeline reference for scband-word-embedding-68633577390250 (READ-ONLY COPY).

The authoritative reference and input builder live on the scoring server;
editing this copy changes nothing except your own understanding.
"""

import jax, jax.numpy as jnp
import numpy as np

VOCAB = 1000
EMBED_DIM = 128
BATCH = 4096
HIST_LEN = 50


def setup_inputs(seed: int = 0) -> dict:
    key = jax.random.key(seed)
    k1, k2 = jax.random.split(key)
    # nn.Embedding default init ~ N(0,1); padding_idx=0 row zeroed
    table = jax.random.normal(k1, (VOCAB, EMBED_DIM), dtype=jnp.float32)
    table = table.at[0].set(0.0)
    x = jax.random.randint(k2, (BATCH, HIST_LEN), 0, VOCAB, dtype=jnp.int32)
    return {"x": x, "table": table}


def reference(x, table):
    # WordEmbedding.forward: out = self.word_embedding(x)
    out = jnp.take(table, x, axis=0)
    return out

if __name__ == "__main__":
    import jax
    _d = setup_inputs()
    print(jax.jit(kernel)(*tuple(_d.values())))

</pallas_src>

<mosaic_0001>
#map = affine_map<(d0, d1) -> (0, 0)>
module attributes {stable_mosaic.version = 14 : i64} {
  func.func @k(%arg0: i32, %arg1: i32, %arg2: memref<50x4096xi32, #tpu.memory_space<hbm>>, %arg3: memref<1000x128xf32, #tpu.memory_space<hbm>>, %arg4: memref<204800x128xf32, #tpu.memory_space<hbm>>, %arg5: memref<50x128xi32, #tpu.memory_space<vmem>>, %arg6: memref<5x128x128xf32, #tpu.memory_space<vmem>>, %arg7: memref<1000x128xf32, #tpu.memory_space<vmem_shared>>, %arg8: memref<!tpu.dma_semaphore, #tpu.memory_space<semaphore_mem>>, %arg9: memref<!tpu.dma_semaphore, #tpu.memory_space<semaphore_mem>>, %arg10: memref<!tpu.dma_semaphore, #tpu.memory_space<semaphore_mem>>, %arg11: memref<!tpu.dma_semaphore, #tpu.memory_space<semaphore_mem>>, %arg12: memref<!tpu.dma_semaphore, #tpu.memory_space<semaphore_mem>>, %arg13: memref<!tpu.dma_semaphore, #tpu.memory_space<semaphore_mem>>, %arg14: memref<!tpu.dma_semaphore, #tpu.memory_space<semaphore_mem>>, %arg15: memref<!tpu.dma_semaphore, #tpu.memory_space<semaphore_mem>>, %arg16: memref<!tpu.dma_semaphore, #tpu.memory_space<semaphore_mem>>, %arg17: memref<!tpu.dma_semaphore, #tpu.memory_space<semaphore_mem>>) attributes {dimension_semantics = [#tpu.dimension_semantics<core_parallel>, #tpu.dimension_semantics<subcore_parallel>], iteration_bounds = array<i64: 2, 16>, scalar_prefetch = 0 : i64, scratch_operands = 13 : i64, tpu.core_type = #tpu.core_type<sc_vector_subcore>, window_params = [{transform_indices = #map}, {transform_indices = #map}, {transform_indices = #map}]} {
    %mul3A = arith.constant 2 : i32
    %mul3A_0 = arith.muli %arg1, %mul3A : i32
    %add3A = arith.addi %mul3A_0, %arg0 : i32
    %eq3A = arith.constant 0 : i32
    %eq3A_1 = arith.cmpi eq, %arg1, %eq3A : i32
    %convert_element_type3A = arith.extui %eq3A_1 : i1 to i32
    %cond3A = arith.constant 0 : i32
    %cond3A_2 = arith.cmpi ne, %convert_element_type3A, %cond3A : i32
    scf.if %cond3A_2 {
      "tpu.region"() ({
        %run_scoped3A = tpu.sem_alloc : memref<!tpu.dma_semaphore, #tpu.memory_space<semaphore_mem>>
        tpu.enqueue_dma source(%arg3 : memref<1000x128xf32, #tpu.memory_space<hbm>>) target(%arg7 : memref<1000x128xf32, #tpu.memory_space<vmem_shared>>) target_semaphore(%run_scoped3A : memref<!tpu.dma_semaphore, #tpu.memory_space<semaphore_mem>>)
        tpu.wait_dma2 semaphore(%run_scoped3A : memref<!tpu.dma_semaphore, #tpu.memory_space<semaphore_mem>>) src(%arg3 : memref<1000x128xf32, #tpu.memory_space<hbm>>) dst(%arg7 : memref<1000x128xf32, #tpu.memory_space<vmem_shared>>)
        tpu.yield
      }) : () -> ()
    } else {
    }
    %mul3A_3 = arith.constant 128 : i32
    %mul3A_4 = arith.muli %add3A, %mul3A_3 : i32
    "tpu.region"() ({
      %run_scoped3A = tpu.sem_alloc : memref<!tpu.dma_semaphore, #tpu.memory_space<semaphore_mem>>
      %dma_start3A_153 = arith.constant 0 : i32
      %dma_start3A_154 = tpu.memref_slice %arg2[%dma_start3A_153, %mul3A_4] : memref<50x4096xi32, #tpu.memory_space<hbm>> -> memref<50x128xi32, #tpu.memory_space<hbm>>
      %dma_start3A_155 = arith.constant 0 : i32
      %dma_start3A_156 = tpu.memref_slice %arg2[%dma_start3A_155, %mul3A_4] : memref<50x4096xi32, #tpu.memory_space<hbm>> -> memref<50x128xi32, #tpu.memory_space<hbm>>
      tpu.enqueue_dma source(%dma_start3A_156 : memref<50x128xi32, #tpu.memory_space<hbm>>) target(%arg5 : memref<50x128xi32, #tpu.memory_space<vmem>>) target_semaphore(%run_scoped3A : memref<!tpu.dma_semaphore, #tpu.memory_space<semaphore_mem>>)
      %dma_wait3A_157 = arith.constant 0 : i32
      %dma_wait3A_158 = tpu.memref_slice %arg2[%dma_wait3A_157, %mul3A_4] : memref<50x4096xi32, #tpu.memory_space<hbm>> -> memref<50x128xi32, #tpu.memory_space<hbm>>
      %dma_wait3A_159 = arith.constant 0 : i32
      %dma_wait3A_160 = tpu.memref_slice %arg2[%dma_wait3A_159, %mul3A_4] : memref<50x4096xi32, #tpu.memory_space<hbm>> -> memref<50x128xi32, #tpu.memory_space<hbm>>
      tpu.wait_dma2 semaphore(%run_scoped3A : memref<!tpu.dma_semaphore, #tpu.memory_space<semaphore_mem>>) src(%dma_wait3A_160 : memref<50x128xi32, #tpu.memory_space<hbm>>) dst(%arg5 : memref<50x128xi32, #tpu.memory_space<vmem>>)
      tpu.yield
    }) : () -> ()
    %barrier3A = arith.constant 0 : index
    tpu.barrier barrier_id(%barrier3A)
    %dma_start3A = arith.constant 0 : i32
    %dma_start3A_5 = arith.constant 0 : i32
    %dma_start3A_6 = arith.constant 0 : i32
    %dma_start3A_7 = arith.constant 0 : i32
    %dma_start3A_8 = tpu.memref_slice %arg6[%dma_start3A_5, %dma_start3A_6, %dma_start3A_7] : memref<5x128x128xf32, #tpu.memory_space<vmem>> -> memref<1x128x128xf32, #tpu.memory_space<vmem>>
    %dma_start3A_9 = tpu.memref_squeeze %dma_start3A_8 : memref<1x128x128xf32, #tpu.memory_space<vmem>> -> memref<128x128xf32, #tpu.memory_space<vmem>>
    %dma_start3A_10 = arith.constant 0 : i32
    %dma_start3A_11 = tpu.memref_slice %arg5[%dma_start3A, %dma_start3A_10] : memref<50x128xi32, #tpu.memory_space<vmem>> -> memref<1x128xi32, #tpu.memory_space<vmem>>
    %dma_start3A_12 = tpu.memref_squeeze %dma_start3A_11 : memref<1x128xi32, #tpu.memory_space<vmem>> -> memref<128xi32, #tpu.memory_space<vmem>>
    %dma_start3A_13 = arith.constant 0 : i32
    %dma_start3A_14 = arith.constant 0 : i32
    %dma_start3A_15 = tpu.memref_slice %arg7[%dma_start3A_13, %dma_start3A_14] : memref<1000x128xf32, #tpu.memory_space<vmem_shared>> -> memref<1000x128xf32, #tpu.memory_space<vmem_shared>>
    tpu.enqueue_indirect_dma source(%dma_start3A_15 : memref<1000x128xf32, #tpu.memory_space<vmem_shared>>) target(%dma_start3A_9 : memref<128x128xf32, #tpu.memory_space<vmem>>) offsets(%dma_start3A_12 : memref<128xi32, #tpu.memory_space<vmem>>) semaphore(%arg8 : memref<!tpu.dma_semaphore, #tpu.memory_space<semaphore_mem>>)
    %dma_start3A_16 = arith.constant 1 : i32
    %dma_start3A_17 = arith.constant 1 : i32
    %dma_start3A_18 = arith.constant 0 : i32
    %dma_start3A_19 = arith.constant 0 : i32
    %dma_start3A_20 = tpu.memref_slice %arg6[%dma_start3A_17, %dma_start3A_18, %dma_start3A_19] : memref<5x128x128xf32, #tpu.memory_space<vmem>> -> memref<1x128x128xf32, #tpu.memory_space<vmem>>
    %dma_start3A_21 = tpu.memref_squeeze %dma_start3A_20 : memref<1x128x128xf32, #tpu.memory_space<vmem>> -> memref<128x128xf32, #tpu.memory_space<vmem>>
    %dma_start3A_22 = arith.constant 0 : i32
    %dma_start3A_23 = tpu.memref_slice %arg5[%dma_start3A_16, %dma_start3A_22] : memref<50x128xi32, #tpu.memory_space<vmem>> -> memref<1x128xi32, #tpu.memory_space<vmem>>
    %dma_start3A_24 = tpu.memref_squeeze %dma_start3A_23 : memref<1x128xi32, #tpu.memory_space<vmem>> -> memref<128xi32, #tpu.memory_space<vmem>>
    %dma_start3A_25 = arith.constant 0 : i32
    %dma_start3A_26 = arith.constant 0 : i32
    %dma_start3A_27 = tpu.memref_slice %arg7[%dma_start3A_25, %dma_start3A_26] : memref<1000x128xf32, #tpu.memory_space<vmem_shared>> -> memref<1000x128xf32, #tpu.memory_space<vmem_shared>>
    tpu.enqueue_indirect_dma source(%dma_start3A_27 : memref<1000x128xf32, #tpu.memory_space<vmem_shared>>) target(%dma_start3A_21 : memref<128x128xf32, #tpu.memory_space<vmem>>) offsets(%dma_start3A_24 : memref<128xi32, #tpu.memory_space<vmem>>) semaphore(%arg9 : memref<!tpu.dma_semaphore, #tpu.memory_space<semaphore_mem>>)
    %dma_start3A_28 = arith.constant 2 : i32
    %dma_start3A_29 = arith.constant 2 : i32
    %dma_start3A_30 = arith.constant 0 : i32
    %dma_start3A_31 = arith.constant 0 : i32
    %dma_start3A_32 = tpu.memref_slice %arg6[%dma_start3A_29, %dma_start3A_30, %dma_start3A_31] : memref<5x128x128xf32, #tpu.memory_space<vmem>> -> memref<1x128x128xf32, #tpu.memory_space<vmem>>
    %dma_start3A_33 = tpu.memref_squeeze %dma_start3A_32 : memref<1x128x128xf32, #tpu.memory_space<vmem>> -> memref<128x128xf32, #tpu.memory_space<vmem>>
    %dma_start3A_34 = arith.constant 0 : i32
    %dma_start3A_35 = tpu.memref_slice %arg5[%dma_start3A_28, %dma_start3A_34] : memref<50x128xi32, #tpu.memory_space<vmem>> -> memref<1x128xi32, #tpu.memory_space<vmem>>
    %dma_start3A_36 = tpu.memref_squeeze %dma_start3A_35 : memref<1x128xi32, #tpu.memory_space<vmem>> -> memref<128xi32, #tpu.memory_space<vmem>>
    %dma_start3A_37 = arith.constant 0 : i32
    %dma_start3A_38 = arith.constant 0 : i32
    %dma_start3A_39 = tpu.memref_slice %arg7[%dma_start3A_37, %dma_start3A_38] : memref<1000x128xf32, #tpu.memory_space<vmem_shared>> -> memref<1000x128xf32, #tpu.memory_space<vmem_shared>>
    tpu.enqueue_indirect_dma source(%dma_start3A_39 : memref<1000x128xf32, #tpu.memory_space<vmem_shared>>) target(%dma_start3A_33 : memref<128x128xf32, #tpu.memory_space<vmem>>) offsets(%dma_start3A_36 : memref<128xi32, #tpu.memory_space<vmem>>) semaphore(%arg10 : memref<!tpu.dma_semaphore, #tpu.memory_space<semaphore_mem>>)
    %dma_start3A_40 = arith.constant 3 : i32
    %dma_start3A_41 = arith.constant 3 : i32
    %dma_start3A_42 = arith.constant 0 : i32
    %dma_start3A_43 = arith.constant 0 : i32
    %dma_start3A_44 = tpu.memref_slice %arg6[%dma_start3A_41, %dma_start3A_42, %dma_start3A_43] : memref<5x128x128xf32, #tpu.memory_space<vmem>> -> memref<1x128x128xf32, #tpu.memory_space<vmem>>
    %dma_start3A_45 = tpu.memref_squeeze %dma_start3A_44 : memref<1x128x128xf32, #tpu.memory_space<vmem>> -> memref<128x128xf32, #tpu.memory_space<vmem>>
    %dma_start3A_46 = arith.constant 0 : i32
    %dma_start3A_47 = tpu.memref_slice %arg5[%dma_start3A_40, %dma_start3A_46] : memref<50x128xi32, #tpu.memory_space<vmem>> -> memref<1x128xi32, #tpu.memory_space<vmem>>
    %dma_start3A_48 = tpu.memref_squeeze %dma_start3A_47 : memref<1x128xi32, #tpu.memory_space<vmem>> -> memref<128xi32, #tpu.memory_space<vmem>>
    %dma_start3A_49 = arith.constant 0 : i32
    %dma_start3A_50 = arith.constant 0 : i32
    %dma_start3A_51 = tpu.memref_slice %arg7[%dma_start3A_49, %dma_start3A_50] : memref<1000x128xf32, #tpu.memory_space<vmem_shared>> -> memref<1000x128xf32, #tpu.memory_space<vmem_shared>>
    tpu.enqueue_indirect_dma source(%dma_start3A_51 : memref<1000x128xf32, #tpu.memory_space<vmem_shared>>) target(%dma_start3A_45 : memref<128x128xf32, #tpu.memory_space<vmem>>) offsets(%dma_start3A_48 : memref<128xi32, #tpu.memory_space<vmem>>) semaphore(%arg11 : memref<!tpu.dma_semaphore, #tpu.memory_space<semaphore_mem>>)
    %dma_start3A_52 = arith.constant 4 : i32
    %dma_start3A_53 = arith.constant 4 : i32
    %dma_start3A_54 = arith.constant 0 : i32
    %dma_start3A_55 = arith.constant 0 : i32
    %dma_start3A_56 = tpu.memref_slice %arg6[%dma_start3A_53, %dma_start3A_54, %dma_start3A_55] : memref<5x128x128xf32, #tpu.memory_space<vmem>> -> memref<1x128x128xf32, #tpu.memory_space<vmem>>
    %dma_start3A_57 = tpu.memref_squeeze %dma_start3A_56 : memref<1x128x128xf32, #tpu.memory_space<vmem>> -> memref<128x128xf32, #tpu.memory_space<vmem>>
    %dma_start3A_58 = arith.constant 0 : i32
    %dma_start3A_59 = tpu.memref_slice %arg5[%dma_start3A_52, %dma_start3A_58] : memref<50x128xi32, #tpu.memory_space<vmem>> -> memref<1x128xi32, #tpu.memory_space<vmem>>
    %dma_start3A_60 = tpu.memref_squeeze %dma_start3A_59 : memref<1x128xi32, #tpu.memory_space<vmem>> -> memref<128xi32, #tpu.memory_space<vmem>>
    %dma_start3A_61 = arith.constant 0 : i32
    %dma_start3A_62 = arith.constant 0 : i32
    %dma_start3A_63 = tpu.memref_slice %arg7[%dma_start3A_61, %dma_start3A_62] : memref<1000x128xf32, #tpu.memory_space<vmem_shared>> -> memref<1000x128xf32, #tpu.memory_space<vmem_shared>>
    tpu.enqueue_indirect_dma source(%dma_start3A_63 : memref<1000x128xf32, #tpu.memory_space<vmem_shared>>) target(%dma_start3A_57 : memref<128x128xf32, #tpu.memory_space<vmem>>) offsets(%dma_start3A_60 : memref<128xi32, #tpu.memory_space<vmem>>) semaphore(%arg12 : memref<!tpu.dma_semaphore, #tpu.memory_space<semaphore_mem>>)
    %scan3A = arith.constant 0 : i32
    %scan3A_64 = arith.constant 0 : i32
    %scan3A_65 = arith.constant 10 : i32
    %scan3A_66 = arith.addi %scan3A_64, %scan3A_65 : i32
    %scan3A_67 = arith.constant 1 : i32
    scf.for %scan3A_153 = %scan3A_64 to %scan3A_66 step %scan3A_67  : i32 {
      %mul3A_154 = arith.constant 5 : i32
      %mul3A_155 = arith.muli %scan3A_153, %mul3A_154 : i32
      %add3A_156 = arith.constant 0 : i32
      %add3A_157 = arith.addi %mul3A_155, %add3A_156 : i32
      %dma_wait3A_158 = arith.constant 0 : i32
      %dma_wait3A_159 = arith.constant 0 : i32
      %dma_wait3A_160 = arith.constant 0 : i32
      %dma_wait3A_161 = tpu.memref_slice %arg6[%dma_wait3A_158, %dma_wait3A_159, %dma_wait3A_160] : memref<5x128x128xf32, #tpu.memory_space<vmem>> -> memref<1x128x128xf32, #tpu.memory_space<vmem>>
      %dma_wait3A_162 = tpu.memref_squeeze %dma_wait3A_161 : memref<1x128x128xf32, #tpu.memory_space<vmem>> -> memref<128x128xf32, #tpu.memory_space<vmem>>
      %dma_wait3A_163 = arith.constant 0 : i32
      %dma_wait3A_164 = tpu.memref_slice %arg5[%add3A_157, %dma_wait3A_163] : memref<50x128xi32, #tpu.memory_space<vmem>> -> memref<1x128xi32, #tpu.memory_space<vmem>>
      %dma_wait3A_165 = tpu.memref_squeeze %dma_wait3A_164 : memref<1x128xi32, #tpu.memory_space<vmem>> -> memref<128xi32, #tpu.memory_space<vmem>>
      %dma_wait3A_166 = arith.constant 0 : i32
      %dma_wait3A_167 = arith.constant 0 : i32
      %dma_wait3A_168 = tpu.memref_slice %arg7[%dma_wait3A_166, %dma_wait3A_167] : memref<1000x128xf32, #tpu.memory_space<vmem_shared>> -> memref<1000x128xf32, #tpu.memory_space<vmem_shared>>
      tpu.wait_indirect_dma semaphore(%arg8 : memref<!tpu.dma_semaphore, #tpu.memory_space<semaphore_mem>>) src(%dma_wait3A_168 : memref<1000x128xf32, #tpu.memory_space<vmem_shared>>) dst(%dma_wait3A_162 : memref<128x128xf32, #tpu.memory_space<vmem>>)
      %add3A_169 = arith.constant 0 : i32
      %add3A_170 = arith.addi %mul3A_155, %add3A_169 : i32
      %mul3A_171 = arith.constant 4096 : i32
      %mul3A_172 = arith.muli %add3A_170, %mul3A_171 : i32
      %mul3A_173 = arith.constant 128 : i32
      %mul3A_174 = arith.muli %add3A, %mul3A_173 : i32
      %add3A_175 = arith.addi %mul3A_172, %mul3A_174 : i32
      %dma_start3A_176 = arith.constant 0 : i32
      %dma_start3A_177 = arith.constant 0 : i32
      %dma_start3A_178 = arith.constant 0 : i32
      %dma_start3A_179 = tpu.memref_slice %arg6[%dma_start3A_176, %dma_start3A_177, %dma_start3A_178] : memref<5x128x128xf32, #tpu.memory_space<vmem>> -> memref<1x128x128xf32, #tpu.memory_space<vmem>>
      %dma_start3A_180 = tpu.memref_squeeze %dma_start3A_179 : memref<1x128x128xf32, #tpu.memory_space<vmem>> -> memref<128x128xf32, #tpu.memory_space<vmem>>
      %dma_start3A_181 = arith.constant 0 : i32
      %dma_start3A_182 = tpu.memref_slice %arg4[%add3A_175, %dma_start3A_181] : memref<204800x128xf32, #tpu.memory_space<hbm>> -> memref<128x128xf32, #tpu.memory_space<hbm>>
      %dma_start3A_183 = arith.constant 0 : i32
      %dma_start3A_184 = tpu.memref_slice %arg4[%add3A_175, %dma_start3A_183] : memref<204800x128xf32, #tpu.memory_space<hbm>> -> memref<128x128xf32, #tpu.memory_space<hbm>>
      %dma_start3A_185 = arith.constant 0 : i32
      %dma_start3A_186 = arith.constant 0 : i32
      %dma_start3A_187 = tpu.memref_slice %arg6[%dma_start3A_176, %dma_start3A_185, %dma_start3A_186] : memref<5x128x128xf32, #tpu.memory_space<vmem>> -> memref<1x128x128xf32, #tpu.memory_space<vmem>>
      %dma_start3A_188 = tpu.memref_squeeze %dma_start3A_187 : memref<1x128x128xf32, #tpu.memory_space<vmem>> -> memref<128x128xf32, #tpu.memory_space<vmem>>
      tpu.enqueue_dma source(%dma_start3A_188 : memref<128x128xf32, #tpu.memory_space<vmem>>) target(%dma_start3A_184 : memref<128x128xf32, #tpu.memory_space<hbm>>) target_semaphore(%arg13 : memref<!tpu.dma_semaphore, #tpu.memory_space<semaphore_mem>>)
      %add3A_189 = arith.constant 1 : i32
      %add3A_190 = arith.addi %mul3A_155, %add3A_189 : i32
      %dma_wait3A_191 = arith.constant 1 : i32
      %dma_wait3A_192 = arith.constant 0 : i32
      %dma_wait3A_193 = arith.constant 0 : i32
      %dma_wait3A_194 = tpu.memref_slice %arg6[%dma_wait3A_191, %dma_wait3A_192, %dma_wait3A_193] : memref<5x128x128xf32, #tpu.memory_space<vmem>> -> memref<1x128x128xf32, #tpu.memory_space<vmem>>
      %dma_wait3A_195 = tpu.memref_squeeze %dma_wait3A_194 : memref<1x128x128xf32, #tpu.memory_space<vmem>> -> memref<128x128xf32, #tpu.memory_space<vmem>>
      %dma_wait3A_196 = arith.constant 0 : i32
      %dma_wait3A_197 = tpu.memref_slice %arg5[%add3A_190, %dma_wait3A_196] : memref<50x128xi32, #tpu.memory_space<vmem>> -> memref<1x128xi32, #tpu.memory_space<vmem>>
      %dma_wait3A_198 = tpu.memref_squeeze %dma_wait3A_197 : memref<1x128xi32, #tpu.memory_space<vmem>> -> memref<128xi32, #tpu.memory_space<vmem>>
      %dma_wait3A_199 = arith.constant 0 : i32
      %dma_wait3A_200 = arith.constant 0 : i32
      %dma_wait3A_201 = tpu.memref_slice %arg7[%dma_wait3A_199, %dma_wait3A_200] : memref<1000x128xf32, #tpu.memory_space<vmem_shared>> -> memref<1000x128xf32, #tpu.memory_space<vmem_shared>>
      tpu.wait_indirect_dma semaphore(%arg9 : memref<!tpu.dma_semaphore, #tpu.memory_space<semaphore_mem>>) src(%dma_wait3A_201 : memref<1000x128xf32, #tpu.memory_space<vmem_shared>>) dst(%dma_wait3A_195 : memref<128x128xf32, #tpu.memory_space<vmem>>)
      %add3A_202 = arith.constant 1 : i32
      %add3A_203 = arith.addi %mul3A_155, %add3A_202 : i32
      %mul3A_204 = arith.constant 4096 : i32
      %mul3A_205 = arith.muli %add3A_203, %mul3A_204 : i32
      %mul3A_206 = arith.constant 128 : i32
      %mul3A_207 = arith.muli %add3A, %mul3A_206 : i32
      %add3A_208 = arith.addi %mul3A_205, %mul3A_207 : i32
      %dma_start3A_209 = arith.constant 1 : i32
      %dma_start3A_210 = arith.constant 0 : i32
      %dma_start3A_211 = arith.constant 0 : i32
      %dma_start3A_212 = tpu.memref_slice %arg6[%dma_start3A_209, %dma_start3A_210, %dma_start3A_211] : memref<5x128x128xf32, #tpu.memory_space<vmem>> -> memref<1x128x128xf32, #tpu.memory_space<vmem>>
      %dma_start3A_213 = tpu.memref_squeeze %dma_start3A_212 : memref<1x128x128xf32, #tpu.memory_space<vmem>> -> memref<128x128xf32, #tpu.memory_space<vmem>>
      %dma_start3A_214 = arith.constant 0 : i32
      %dma_start3A_215 = tpu.memref_slice %arg4[%add3A_208, %dma_start3A_214] : memref<204800x128xf32, #tpu.memory_space<hbm>> -> memref<128x128xf32, #tpu.memory_space<hbm>>
      %dma_start3A_216 = arith.constant 0 : i32
      %dma_start3A_217 = tpu.memref_slice %arg4[%add3A_208, %dma_start3A_216] : memref<204800x128xf32, #tpu.memory_space<hbm>> -> memref<128x128xf32, #tpu.memory_space<hbm>>
      %dma_start3A_218 = arith.constant 0 : i32
      %dma_start3A_219 = arith.constant 0 : i32
      %dma_start3A_220 = tpu.memref_slice %arg6[%dma_start3A_209, %dma_start3A_218, %dma_start3A_219] : memref<5x128x128xf32, #tpu.memory_space<vmem>> -> memref<1x128x128xf32, #tpu.memory_space<vmem>>
      %dma_start3A_221 = tpu.memref_squeeze %dma_start3A_220 : memref<1x128x128xf32, #tpu.memory_space<vmem>> -> memref<128x128xf32, #tpu.memory_space<vmem>>
      tpu.enqueue_dma source(%dma_start3A_221 : memref<128x128xf32, #tpu.memory_space<vmem>>) target(%dma_start3A_217 : memref<128x128xf32, #tpu.memory_space<hbm>>) target_semaphore(%arg14 : memref<!tpu.dma_semaphore, #tpu.memory_space<semaphore_mem>>)
      %add3A_222 = arith.constant 2 : i32
      %add3A_223 = arith.addi %mul3A_155, %add3A_222 : i32
      %dma_wait3A_224 = arith.constant 2 : i32
      %dma_wait3A_225 = arith.constant 0 : i32
      %dma_wait3A_226 = arith.constant 0 : i32
      %dma_wait3A_227 = tpu.memref_slice %arg6[%dma_wait3A_224, %dma_wait3A_225, %dma_wait3A_226] : memref<5x128x128xf32, #tpu.memory_space<vmem>> -> memref<1x128x128xf32, #tpu.memory_space<vmem>>
      %dma_wait3A_228 = tpu.memref_squeeze %dma_wait3A_227 : memref<1x128x128xf32, #tpu.memory_space<vmem>> -> memref<128x128xf32, #tpu.memory_space<vmem>>
      %dma_wait3A_229 = arith.constant 0 : i32
      %dma_wait3A_230 = tpu.memref_slice %arg5[%add3A_223, %dma_wait3A_229] : memref<50x128xi32, #tpu.memory_space<vmem>> -> memref<1x128xi32, #tpu.memory_space<vmem>>
      %dma_wait3A_231 = tpu.memref_squeeze %dma_wait3A_230 : memref<1x128xi32, #tpu.memory_space<vmem>> -> memref<128xi32, #tpu.memory_space<vmem>>
      %dma_wait3A_232 = arith.constant 0 : i32
      %dma_wait3A_233 = arith.constant 0 : i32
      %dma_wait3A_234 = tpu.memref_slice %arg7[%dma_wait3A_232, %dma_wait3A_233] : memref<1000x128xf32, #tpu.memory_space<vmem_shared>> -> memref<1000x128xf32, #tpu.memory_space<vmem_shared>>
      tpu.wait_indirect_dma semaphore(%arg10 : memref<!tpu.dma_semaphore, #tpu.memory_space<semaphore_mem>>) src(%dma_wait3A_234 : memref<1000x128xf32, #tpu.memory_space<vmem_shared>>) dst(%dma_wait3A_228 : memref<128x128xf32, #tpu.memory_space<vmem>>)
      %add3A_235 = arith.constant 2 : i32
      %add3A_236 = arith.addi %mul3A_155, %add3A_235 : i32
      %mul3A_237 = arith.constant 4096 : i32
      %mul3A_238 = arith.muli %add3A_236, %mul3A_237 : i32
      %mul3A_239 = arith.constant 128 : i32
      %mul3A_240 = arith.muli %add3A, %mul3A_239 : i32
      %add3A_241 = arith.addi %mul3A_238, %mul3A_240 : i32
      %dma_start3A_242 = arith.constant 2 : i32
      %dma_start3A_243 = arith.constant 0 : i32
      %dma_start3A_244 = arith.constant 0 : i32
      %dma_start3A_245 = tpu.memref_slice %arg6[%dma_start3A_242, %dma_start3A_243, %dma_start3A_244] : memref<5x128x128xf32, #tpu.memory_space<vmem>> -> memref<1x128x128xf32, #tpu.memory_space<vmem>>
      %dma_start3A_246 = tpu.memref_squeeze %dma_start3A_245 : memref<1x128x128xf32, #tpu.memory_space<vmem>> -> memref<128x128xf32, #tpu.memory_space<vmem>>
      %dma_start3A_247 = arith.constant 0 : i32
      %dma_start3A_248 = tpu.memref_slice %arg4[%add3A_241, %dma_start3A_247] : memref<204800x128xf32, #tpu.memory_space<hbm>> -> memref<128x128xf32, #tpu.memory_space<hbm>>
      %dma_start3A_249 = arith.constant 0 : i32
      %dma_start3A_250 = tpu.memref_slice %arg4[%add3A_241, %dma_start3A_249] : memref<204800x128xf32, #tpu.memory_space<hbm>> -> memref<128x128xf32, #tpu.memory_space<hbm>>
      %dma_start3A_251 = arith.constant 0 : i32
      %dma_start3A_252 = arith.constant 0 : i32
      %dma_start3A_253 = tpu.memref_slice %arg6[%dma_start3A_242, %dma_start3A_251, %dma_start3A_252] : memref<5x128x128xf32, #tpu.memory_space<vmem>> -> memref<1x128x128xf32, #tpu.memory_space<vmem>>
      %dma_start3A_254 = tpu.memref_squeeze %dma_start3A_253 : memref<1x128x128xf32, #tpu.memory_space<vmem>> -> memref<128x128xf32, #tpu.memory_space<vmem>>
      tpu.enqueue_dma source(%dma_start3A_254 : memref<128x128xf32, #tpu.memory_space<vmem>>) target(%dma_start3A_250 : memref<128x128xf32, #tpu.memory_space<hbm>>) target_semaphore(%arg15 : memref<!tpu.dma_semaphore, #tpu.memory_space<semaphore_mem>>)
      %add3A_255 = arith.constant 3 : i32
      %add3A_256 = arith.addi %mul3A_155, %add3A_255 : i32
      %dma_wait3A_257 = arith.constant 3 : i32
      %dma_wait3A_258 = arith.constant 0 : i32
      %dma_wait3A_259 = arith.constant 0 : i32
      %dma_wait3A_260 = tpu.memref_slice %arg6[%dma_wait3A_257, %dma_wait3A_258, %dma_wait3A_259] : memref<5x128x128xf32, #tpu.memory_space<vmem>> -> memref<1x128x128xf32, #tpu.memory_space<vmem>>
      %dma_wait3A_261 = tpu.memref_squeeze %dma_wait3A_260 : memref<1x128x128xf32, #tpu.memory_space<vmem>> -> memref<128x128xf32, #tpu.memory_space<vmem>>
      %dma_wait3A_262 = arith.constant 0 : i32
      %dma_wait3A_263 = tpu.memref_slice %arg5[%add3A_256, %dma_wait3A_262] : memref<50x128xi32, #tpu.memory_space<vmem>> -> memref<1x128xi32, #tpu.memory_space<vmem>>
      %dma_wait3A_264 = tpu.memref_squeeze %dma_wait3A_263 : memref<1x128xi32, #tpu.memory_space<vmem>> -> memref<128xi32, #tpu.memory_space<vmem>>
      %dma_wait3A_265 = arith.constant 0 : i32
      %dma_wait3A_266 = arith.constant 0 : i32
      %dma_wait3A_267 = tpu.memref_slice %arg7[%dma_wait3A_265, %dma_wait3A_266] : memref<1000x128xf32, #tpu.memory_space<vmem_shared>> -> memref<1000x128xf32, #tpu.memory_space<vmem_shared>>
      tpu.wait_indirect_dma semaphore(%arg11 : memref<!tpu.dma_semaphore, #tpu.memory_space<semaphore_mem>>) src(%dma_wait3A_267 : memref<1000x128xf32, #tpu.memory_space<vmem_shared>>) dst(%dma_wait3A_261 : memref<128x128xf32, #tpu.memory_space<vmem>>)
      %add3A_268 = arith.constant 3 : i32
      %add3A_269 = arith.addi %mul3A_155, %add3A_268 : i32
      %mul3A_270 = arith.constant 4096 : i32
      %mul3A_271 = arith.muli %add3A_269, %mul3A_270 : i32
      %mul3A_272 = arith.constant 128 : i32
      %mul3A_273 = arith.muli %add3A, %mul3A_272 : i32
      %add3A_274 = arith.addi %mul3A_271, %mul3A_273 : i32
      %dma_start3A_275 = arith.constant 3 : i32
      %dma_start3A_276 = arith.constant 0 : i32
      %dma_start3A_277 = arith.constant 0 : i32
      %dma_start3A_278 = tpu.memref_slice %arg6[%dma_start3A_275, %dma_start3A_276, %dma_start3A_277] : memref<5x128x128xf32, #tpu.memory_space<vmem>> -> memref<1x128x128xf32, #tpu.memory_space<vmem>>
      %dma_start3A_279 = tpu.memref_squeeze %dma_start3A_278 : memref<1x128x128xf32, #tpu.memory_space<vmem>> -> memref<128x128xf32, #tpu.memory_space<vmem>>
      %dma_start3A_280 = arith.constant 0 : i32
      %dma_start3A_281 = tpu.memref_slice %arg4[%add3A_274, %dma_start3A_280] : memref<204800x128xf32, #tpu.memory_space<hbm>> -> memref<128x128xf32, #tpu.memory_space<hbm>>
      %dma_start3A_282 = arith.constant 0 : i32
      %dma_start3A_283 = tpu.memref_slice %arg4[%add3A_274, %dma_start3A_282] : memref<204800x128xf32, #tpu.memory_space<hbm>> -> memref<128x128xf32, #tpu.memory_space<hbm>>
      %dma_start3A_284 = arith.constant 0 : i32
      %dma_start3A_285 = arith.constant 0 : i32
      %dma_start3A_286 = tpu.memref_slice %arg6[%dma_start3A_275, %dma_start3A_284, %dma_start3A_285] : memref<5x128x128xf32, #tpu.memory_space<vmem>> -> memref<1x128x128xf32, #tpu.memory_space<vmem>>
      %dma_start3A_287 = tpu.memref_squeeze %dma_start3A_286 : memref<1x128x128xf32, #tpu.memory_space<vmem>> -> memref<128x128xf32, #tpu.memory_space<vmem>>
      tpu.enqueue_dma source(%dma_start3A_287 : memref<128x128xf32, #tpu.memory_space<vmem>>) target(%dma_start3A_283 : memref<128x128xf32, #tpu.memory_space<hbm>>) target_semaphore(%arg16 : memref<!tpu.dma_semaphore, #tpu.memory_space<semaphore_mem>>)
      %add3A_288 = arith.constant 4 : i32
      %add3A_289 = arith.addi %mul3A_155, %add3A_288 : i32
      %dma_wait3A_290 = arith.constant 4 : i32
      %dma_wait3A_291 = arith.constant 0 : i32
      %dma_wait3A_292 = arith.constant 0 : i32
      %dma_wait3A_293 = tpu.memref_slice %arg6[%dma_wait3A_290, %dma_wait3A_291, %dma_wait3A_292] : memref<5x128x128xf32, #tpu.memory_space<vmem>> -> memref<1x128x128xf32, #tpu.memory_space<vmem>>
      %dma_wait3A_294 = tpu.memref_squeeze %dma_wait3A_293 : memref<1x128x128xf32, #tpu.memory_space<vmem>> -> memref<128x128xf32, #tpu.memory_space<vmem>>
      %dma_wait3A_295 = arith.constant 0 : i32
      %dma_wait3A_296 = tpu.memref_slice %arg5[%add3A_289, %dma_wait3A_295] : memref<50x128xi32, #tpu.memory_space<vmem>> -> memref<1x128xi32, #tpu.memory_space<vmem>>
      %dma_wait3A_297 = tpu.memref_squeeze %dma_wait3A_296 : memref<1x128xi32, #tpu.memory_space<vmem>> -> memref<128xi32, #tpu.memory_space<vmem>>
      %dma_wait3A_298 = arith.constant 0 : i32
      %dma_wait3A_299 = arith.constant 0 : i32
      %dma_wait3A_300 = tpu.memref_slice %arg7[%dma_wait3A_298, %dma_wait3A_299] : memref<1000x128xf32, #tpu.memory_space<vmem_shared>> -> memref<1000x128xf32, #tpu.memory_space<vmem_shared>>
      tpu.wait_indirect_dma semaphore(%arg12 : memref<!tpu.dma_semaphore, #tpu.memory_space<semaphore_mem>>) src(%dma_wait3A_300 : memref<1000x128xf32, #tpu.memory_space<vmem_shared>>) dst(%dma_wait3A_294 : memref<128x128xf32, #tpu.memory_space<vmem>>)
      %add3A_301 = arith.constant 4 : i32
      %add3A_302 = arith.addi %mul3A_155, %add3A_301 : i32
      %mul3A_303 = arith.constant 4096 : i32
      %mul3A_304 = arith.muli %add3A_302, %mul3A_303 : i32
      %mul3A_305 = arith.constant 128 : i32
      %mul3A_306 = arith.muli %add3A, %mul3A_305 : i32
      %add3A_307 = arith.addi %mul3A_304, %mul3A_306 : i32
      %dma_start3A_308 = arith.constant 4 : i32
      %dma_start3A_309 = arith.constant 0 : i32
      %dma_start3A_310 = arith.constant 0 : i32
      %dma_start3A_311 = tpu.memref_slice %arg6[%dma_start3A_308, %dma_start3A_309, %dma_start3A_310] : memref<5x128x128xf32, #tpu.memory_space<vmem>> -> memref<1x128x128xf32, #tpu.memory_space<vmem>>
      %dma_start3A_312 = tpu.memref_squeeze %dma_start3A_311 : memref<1x128x128xf32, #tpu.memory_space<vmem>> -> memref<128x128xf32, #tpu.memory_space<vmem>>
      %dma_start3A_313 = arith.constant 0 : i32
      %dma_start3A_314 = tpu.memref_slice %arg4[%add3A_307, %dma_start3A_313] : memref<204800x128xf32, #tpu.memory_space<hbm>> -> memref<128x128xf32, #tpu.memory_space<hbm>>
      %dma_start3A_315 = arith.constant 0 : i32
      %dma_start3A_316 = tpu.memref_slice %arg4[%add3A_307, %dma_start3A_315] : memref<204800x128xf32, #tpu.memory_space<hbm>> -> memref<128x128xf32, #tpu.memory_space<hbm>>
      %dma_start3A_317 = arith.constant 0 : i32
      %dma_start3A_318 = arith.constant 0 : i32
      %dma_start3A_319 = tpu.memref_slice %arg6[%dma_start3A_308, %dma_start3A_317, %dma_start3A_318] : memref<5x128x128xf32, #tpu.memory_space<vmem>> -> memref<1x128x128xf32, #tpu.memory_space<vmem>>
      %dma_start3A_320 = tpu.memref_squeeze %dma_start3A_319 : memref<1x128x128xf32, #tpu.memory_space<vmem>> -> memref<128x128xf32, #tpu.memory_space<vmem>>
      tpu.enqueue_dma source(%dma_start3A_320 : memref<128x128xf32, #tpu.memory_space<vmem>>) target(%dma_start3A_316 : memref<128x128xf32, #tpu.memory_space<hbm>>) target_semaphore(%arg17 : memref<!tpu.dma_semaphore, #tpu.memory_space<semaphore_mem>>)
      %add3A_321 = arith.constant 1 : i32
      %add3A_322 = arith.addi %scan3A_153, %add3A_321 : i32
      %lt3A = arith.constant 10 : i32
      %lt3A_323 = arith.cmpi slt, %add3A_322, %lt3A : i32
      %convert_element_type3A_324 = arith.extui %lt3A_323 : i1 to i32
      %cond3A_325 = arith.constant 0 : i32
      %cond3A_326 = arith.cmpi ne, %convert_element_type3A_324, %cond3A_325 : i32
      scf.if %cond3A_326 {
        %add3A_327 = arith.constant 0 : i32
        %add3A_328 = arith.addi %mul3A_155, %add3A_327 : i32
        %mul3A_329 = arith.constant 4096 : i32
        %mul3A_330 = arith.muli %add3A_328, %mul3A_329 : i32
        %mul3A_331 = arith.constant 128 : i32
        %mul3A_332 = arith.muli %add3A, %mul3A_331 : i32
        %add3A_333 = arith.addi %mul3A_330, %mul3A_332 : i32
        %dma_wait3A_334 = arith.constant 0 : i32
        %dma_wait3A_335 = arith.constant 0 : i32
        %dma_wait3A_336 = arith.constant 0 : i32
        %dma_wait3A_337 = tpu.memref_slice %arg6[%dma_wait3A_334, %dma_wait3A_335, %dma_wait3A_336] : memref<5x128x128xf32, #tpu.memory_space<vmem>> -> memref<1x128x128xf32, #tpu.memory_space<vmem>>
        %dma_wait3A_338 = tpu.memref_squeeze %dma_wait3A_337 : memref<1x128x128xf32, #tpu.memory_space<vmem>> -> memref<128x128xf32, #tpu.memory_space<vmem>>
        %dma_wait3A_339 = arith.constant 0 : i32
        %dma_wait3A_340 = tpu.memref_slice %arg4[%add3A_333, %dma_wait3A_339] : memref<204800x128xf32, #tpu.memory_space<hbm>> -> memref<128x128xf32, #tpu.memory_space<hbm>>
        %dma_wait3A_341 = arith.constant 0 : i32
        %dma_wait3A_342 = tpu.memref_slice %arg4[%add3A_333, %dma_wait3A_341] : memref<204800x128xf32, #tpu.memory_space<hbm>> -> memref<128x128xf32, #tpu.memory_space<hbm>>
        %dma_wait3A_343 = arith.constant 0 : i32
        %dma_wait3A_344 = arith.constant 0 : i32
        %dma_wait3A_345 = tpu.memref_slice %arg6[%dma_wait3A_334, %dma_wait3A_343, %dma_wait3A_344] : memref<5x128x128xf32, #tpu.memory_space<vmem>> -> memref<1x128x128xf32, #tpu.memory_space<vmem>>
        %dma_wait3A_346 = tpu.memref_squeeze %dma_wait3A_345 : memref<1x128x128xf32, #tpu.memory_space<vmem>> -> memref<128x128xf32, #tpu.memory_space<vmem>>
        tpu.wait_dma2 semaphore(%arg13 : memref<!tpu.dma_semaphore, #tpu.memory_space<semaphore_mem>>) src(%dma_wait3A_346 : memref<128x128xf32, #tpu.memory_space<vmem>>) dst(%dma_wait3A_342 : memref<128x128xf32, #tpu.memory_space<hbm>>)
        %add3A_347 = arith.constant 5 : i32
        %add3A_348 = arith.addi %mul3A_155, %add3A_347 : i32
        %add3A_349 = arith.constant 0 : i32
        %add3A_350 = arith.addi %add3A_348, %add3A_349 : i32
        %dma_start3A_351 = arith.constant 0 : i32
        %dma_start3A_352 = arith.constant 0 : i32
        %dma_start3A_353 = arith.constant 0 : i32
        %dma_start3A_354 = tpu.memref_slice %arg6[%dma_start3A_351, %dma_start3A_352, %dma_start3A_353] : memref<5x128x128xf32, #tpu.memory_space<vmem>> -> memref<1x128x128xf32, #tpu.memory_space<vmem>>
        %dma_start3A_355 = tpu.memref_squeeze %dma_start3A_354 : memref<1x128x128xf32, #tpu.memory_space<vmem>> -> memref<128x128xf32, #tpu.memory_space<vmem>>
        %dma_start3A_356 = arith.constant 0 : i32
        %dma_start3A_357 = tpu.memref_slice %arg5[%add3A_350, %dma_start3A_356] : memref<50x128xi32, #tpu.memory_space<vmem>> -> memref<1x128xi32, #tpu.memory_space<vmem>>
        %dma_start3A_358 = tpu.memref_squeeze %dma_start3A_357 : memref<1x128xi32, #tpu.memory_space<vmem>> -> memref<128xi32, #tpu.memory_space<vmem>>
        %dma_start3A_359 = arith.constant 0 : i32
        %dma_start3A_360 = arith.constant 0 : i32
        %dma_start3A_361 = tpu.memref_slice %arg7[%dma_start3A_359, %dma_start3A_360] : memref<1000x128xf32, #tpu.memory_space<vmem_shared>> -> memref<1000x128xf32, #tpu.memory_space<vmem_shared>>
        tpu.enqueue_indirect_dma source(%dma_start3A_361 : memref<1000x128xf32, #tpu.memory_space<vmem_shared>>) target(%dma_start3A_355 : memref<128x128xf32, #tpu.memory_space<vmem>>) offsets(%dma_start3A_358 : memref<128xi32, #tpu.memory_space<vmem>>) semaphore(%arg8 : memref<!tpu.dma_semaphore, #tpu.memory_space<semaphore_mem>>)
        %add3A_362 = arith.constant 1 : i32
        %add3A_363 = arith.addi %mul3A_155, %add3A_362 : i32
        %mul3A_364 = arith.constant 4096 : i32
        %mul3A_365 = arith.muli %add3A_363, %mul3A_364 : i32
        %mul3A_366 = arith.constant 128 : i32
        %mul3A_367 = arith.muli %add3A, %mul3A_366 : i32
        %add3A_368 = arith.addi %mul3A_365, %mul3A_367 : i32
        %dma_wait3A_369 = arith.constant 1 : i32
        %dma_wait3A_370 = arith.constant 0 : i32
        %dma_wait3A_371 = arith.constant 0 : i32
        %dma_wait3A_372 = tpu.memref_slice %arg6[%dma_wait3A_369, %dma_wait3A_370, %dma_wait3A_371] : memref<5x128x128xf32, #tpu.memory_space<vmem>> -> memref<1x128x128xf32, #tpu.memory_space<vmem>>
        %dma_wait3A_373 = tpu.memref_squeeze %dma_wait3A_372 : memref<1x128x128xf32, #tpu.memory_space<vmem>> -> memref<128x128xf32, #tpu.memory_space<vmem>>
        %dma_wait3A_374 = arith.constant 0 : i32
        %dma_wait3A_375 = tpu.memref_slice %arg4[%add3A_368, %dma_wait3A_374] : memref<204800x128xf32, #tpu.memory_space<hbm>> -> memref<128x128xf32, #tpu.memory_space<hbm>>
        %dma_wait3A_376 = arith.constant 0 : i32
        %dma_wait3A_377 = tpu.memref_slice %arg4[%add3A_368, %dma_wait3A_376] : memref<204800x128xf32, #tpu.memory_space<hbm>> -> memref<128x128xf32, #tpu.memory_space<hbm>>
        %dma_wait3A_378 = arith.constant 0 : i32
        %dma_wait3A_379 = arith.constant 0 : i32
        %dma_wait3A_380 = tpu.memref_slice %arg6[%dma_wait3A_369, %dma_wait3A_378, %dma_wait3A_379] : memref<5x128x128xf32, #tpu.memory_space<vmem>> -> memref<1x128x128xf32, #tpu.memory_space<vmem>>
        %dma_wait3A_381 = tpu.memref_squeeze %dma_wait3A_380 : memref<1x128x128xf32, #tpu.memory_space<vmem>> -> memref<128x128xf32, #tpu.memory_space<vmem>>
        tpu.wait_dma2 semaphore(%arg14 : memref<!tpu.dma_semaphore, #tpu.memory_space<semaphore_mem>>) src(%dma_wait3A_381 : memref<128x128xf32, #tpu.memory_space<vmem>>) dst(%dma_wait3A_377 : memref<128x128xf32, #tpu.memory_space<hbm>>)
        %add3A_382 = arith.constant 5 : i32
        %add3A_383 = arith.addi %mul3A_155, %add3A_382 : i32
        %add3A_384 = arith.constant 1 : i32
        %add3A_385 = arith.addi %add3A_383, %add3A_384 : i32
        %dma_start3A_386 = arith.constant 1 : i32
        %dma_start3A_387 = arith.constant 0 : i32
        %dma_start3A_388 = arith.constant 0 : i32
        %dma_start3A_389 = tpu.memref_slice %arg6[%dma_start3A_386, %dma_start3A_387, %dma_start3A_388] : memref<5x128x128xf32, #tpu.memory_space<vmem>> -> memref<1x128x128xf32, #tpu.memory_space<vmem>>
        %dma_start3A_390 = tpu.memref_squeeze %dma_start3A_389 : memref<1x128x128xf32, #tpu.memory_space<vmem>> -> memref<128x128xf32, #tpu.memory_space<vmem>>
        %dma_start3A_391 = arith.constant 0 : i32
        %dma_start3A_392 = tpu.memref_slice %arg5[%add3A_385, %dma_start3A_391] : memref<50x128xi32, #tpu.memory_space<vmem>> -> memref<1x128xi32, #tpu.memory_space<vmem>>
        %dma_start3A_393 = tpu.memref_squeeze %dma_start3A_392 : memref<1x128xi32, #tpu.memory_space<vmem>> -> memref<128xi32, #tpu.memory_space<vmem>>
        %dma_start3A_394 = arith.constant 0 : i32
        %dma_start3A_395 = arith.constant 0 : i32
        %dma_start3A_396 = tpu.memref_slice %arg7[%dma_start3A_394, %dma_start3A_395] : memref<1000x128xf32, #tpu.memory_space<vmem_shared>> -> memref<1000x128xf32, #tpu.memory_space<vmem_shared>>
        tpu.enqueue_indirect_dma source(%dma_start3A_396 : memref<1000x128xf32, #tpu.memory_space<vmem_shared>>) target(%dma_start3A_390 : memref<128x128xf32, #tpu.memory_space<vmem>>) offsets(%dma_start3A_393 : memref<128xi32, #tpu.memory_space<vmem>>) semaphore(%arg9 : memref<!tpu.dma_semaphore, #tpu.memory_space<semaphore_mem>>)
        %add3A_397 = arith.constant 2 : i32
        %add3A_398 = arith.addi %mul3A_155, %add3A_397 : i32
        %mul3A_399 = arith.constant 4096 : i32
        %mul3A_400 = arith.muli %add3A_398, %mul3A_399 : i32
        %mul3A_401 = arith.constant 128 : i32
        %mul3A_402 = arith.muli %add3A, %mul3A_401 : i32
        %add3A_403 = arith.addi %mul3A_400, %mul3A_402 : i32
        %dma_wait3A_404 = arith.constant 2 : i32
        %dma_wait3A_405 = arith.constant 0 : i32
        %dma_wait3A_406 = arith.constant 0 : i32
        %dma_wait3A_407 = tpu.memref_slice %arg6[%dma_wait3A_404, %dma_wait3A_405, %dma_wait3A_406] : memref<5x128x128xf32, #tpu.memory_space<vmem>> -> memref<1x128x128xf32, #tpu.memory_space<vmem>>
        %dma_wait3A_408 = tpu.memref_squeeze %dma_wait3A_407 : memref<1x128x128xf32, #tpu.memory_space<vmem>> -> memref<128x128xf32, #tpu.memory_space<vmem>>
        %dma_wait3A_409 = arith.constant 0 : i32
        %dma_wait3A_410 = tpu.memref_slice %arg4[%add3A_403, %dma_wait3A_409] : memref<204800x128xf32, #tpu.memory_space<hbm>> -> memref<128x128xf32, #tpu.memory_space<hbm>>
        %dma_wait3A_411 = arith.constant 0 : i32
        %dma_wait3A_412 = tpu.memref_slice %arg4[%add3A_403, %dma_wait3A_411] : memref<204800x128xf32, #tpu.memory_space<hbm>> -> memref<128x128xf32, #tpu.memory_space<hbm>>
        %dma_wait3A_413 = arith.constant 0 : i32
        %dma_wait3A_414 = arith.constant 0 : i32
        %dma_wait3A_415 = tpu.memref_slice %arg6[%dma_wait3A_404, %dma_wait3A_413, %dma_wait3A_414] : memref<5x128x128xf32, #tpu.memory_space<vmem>> -> memref<1x128x128xf32, #tpu.memory_space<vmem>>
        %dma_wait3A_416 = tpu.memref_squeeze %dma_wait3A_415 : memref<1x128x128xf32, #tpu.memory_space<vmem>> -> memref<128x128xf32, #tpu.memory_space<vmem>>
        tpu.wait_dma2 semaphore(%arg15 : memref<!tpu.dma_semaphore, #tpu.memory_space<semaphore_mem>>) src(%dma_wait3A_416 : memref<128x128xf32, #tpu.memory_space<vmem>>) dst(%dma_wait3A_412 : memref<128x128xf32, #tpu.memory_space<hbm>>)
        %add3A_417 = arith.constant 5 : i32
        %add3A_418 = arith.addi %mul3A_155, %add3A_417 : i32
        %add3A_419 = arith.constant 2 : i32
        %add3A_420 = arith.addi %add3A_418, %add3A_419 : i32
        %dma_start3A_421 = arith.constant 2 : i32
        %dma_start3A_422 = arith.constant 0 : i32
        %dma_start3A_423 = arith.constant 0 : i32
        %dma_start3A_424 = tpu.memref_slice %arg6[%dma_start3A_421, %dma_start3A_422, %dma_start3A_423] : memref<5x128x128xf32, #tpu.memory_space<vmem>> -> memref<1x128x128xf32, #tpu.memory_space<vmem>>
        %dma_start3A_425 = tpu.memref_squeeze %dma_start3A_424 : memref<1x128x128xf32, #tpu.memory_space<vmem>> -> memref<128x128xf32, #tpu.memory_space<vmem>>
        %dma_start3A_426 = arith.constant 0 : i32
        %dma_start3A_427 = tpu.memref_slice %arg5[%add3A_420, %dma_start3A_426] : memref<50x128xi32, #tpu.memory_space<vmem>> -> memref<1x128xi32, #tpu.memory_space<vmem>>
        %dma_start3A_428 = tpu.memref_squeeze %dma_start3A_427 : memref<1x128xi32, #tpu.memory_space<vmem>> -> memref<128xi32, #tpu.memory_space<vmem>>
        %dma_start3A_429 = arith.constant 0 : i32
        %dma_start3A_430 = arith.constant 0 : i32
        %dma_start3A_431 = tpu.memref_slice %arg7[%dma_start3A_429, %dma_start3A_430] : memref<1000x128xf32, #tpu.memory_space<vmem_shared>> -> memref<1000x128xf32, #tpu.memory_space<vmem_shared>>
        tpu.enqueue_indirect_dma source(%dma_start3A_431 : memref<1000x128xf32, #tpu.memory_space<vmem_shared>>) target(%dma_start3A_425 : memref<128x128xf32, #tpu.memory_space<vmem>>) offsets(%dma_start3A_428 : memref<128xi32, #tpu.memory_space<vmem>>) semaphore(%arg10 : memref<!tpu.dma_semaphore, #tpu.memory_space<semaphore_mem>>)
        %add3A_432 = arith.constant 3 : i32
        %add3A_433 = arith.addi %mul3A_155, %add3A_432 : i32
        %mul3A_434 = arith.constant 4096 : i32
        %mul3A_435 = arith.muli %add3A_433, %mul3A_434 : i32
        %mul3A_436 = arith.constant 128 : i32
        %mul3A_437 = arith.muli %add3A, %mul3A_436 : i32
        %add3A_438 = arith.addi %mul3A_435, %mul3A_437 : i32
        %dma_wait3A_439 = arith.constant 3 : i32
        %dma_wait3A_440 = arith.constant 0 : i32
        %dma_wait3A_441 = arith.constant 0 : i32
        %dma_wait3A_442 = tpu.memref_slice %arg6[%dma_wait3A_439, %dma_wait3A_440, %dma_wait3A_441] : memref<5x128x128xf32, #tpu.memory_space<vmem>> -> memref<1x128x128xf32, #tpu.memory_space<vmem>>
        %dma_wait3A_443 = tpu.memref_squeeze %dma_wait3A_442 : memref<1x128x128xf32, #tpu.memory_space<vmem>> -> memref<128x128xf32, #tpu.memory_space<vmem>>
        %dma_wait3A_444 = arith.constant 0 : i32
        %dma_wait3A_445 = tpu.memref_slice %arg4[%add3A_438, %dma_wait3A_444] : memref<204800x128xf32, #tpu.memory_space<hbm>> -> memref<128x128xf32, #tpu.memory_space<hbm>>
        %dma_wait3A_446 = arith.constant 0 : i32
        %dma_wait3A_447 = tpu.memref_slice %arg4[%add3A_438, %dma_wait3A_446] : memref<204800x128xf32, #tpu.memory_space<hbm>> -> memref<128x128xf32, #tpu.memory_space<hbm>>
        %dma_wait3A_448 = arith.constant 0 : i32
        %dma_wait3A_449 = arith.constant 0 : i32
        %dma_wait3A_450 = tpu.memref_slice %arg6[%dma_wait3A_439, %dma_wait3A_448, %dma_wait3A_449] : memref<5x128x128xf32, #tpu.memory_space<vmem>> -> memref<1x128x128xf32, #tpu.memory_space<vmem>>
        %dma_wait3A_451 = tpu.memref_squeeze %dma_wait3A_450 : memref<1x128x128xf32, #tpu.memory_space<vmem>> -> memref<128x128xf32, #tpu.memory_space<vmem>>
        tpu.wait_dma2 semaphore(%arg16 : memref<!tpu.dma_semaphore, #tpu.memory_space<semaphore_mem>>) src(%dma_wait3A_451 : memref<128x128xf32, #tpu.memory_space<vmem>>) dst(%dma_wait3A_447 : memref<128x128xf32, #tpu.memory_space<hbm>>)
        %add3A_452 = arith.constant 5 : i32
        %add3A_453 = arith.addi %mul3A_155, %add3A_452 : i32
        %add3A_454 = arith.constant 3 : i32
        %add3A_455 = arith.addi %add3A_453, %add3A_454 : i32
        %dma_start3A_456 = arith.constant 3 : i32
        %dma_start3A_457 = arith.constant 0 : i32
        %dma_start3A_458 = arith.constant 0 : i32
        %dma_start3A_459 = tpu.memref_slice %arg6[%dma_start3A_456, %dma_start3A_457, %dma_start3A_458] : memref<5x128x128xf32, #tpu.memory_space<vmem>> -> memref<1x128x128xf32, #tpu.memory_space<vmem>>
        %dma_start3A_460 = tpu.memref_squeeze %dma_start3A_459 : memref<1x128x128xf32, #tpu.memory_space<vmem>> -> memref<128x128xf32, #tpu.memory_space<vmem>>
        %dma_start3A_461 = arith.constant 0 : i32
        %dma_start3A_462 = tpu.memref_slice %arg5[%add3A_455, %dma_start3A_461] : memref<50x128xi32, #tpu.memory_space<vmem>> -> memref<1x128xi32, #tpu.memory_space<vmem>>
        %dma_start3A_463 = tpu.memref_squeeze %dma_start3A_462 : memref<1x128xi32, #tpu.memory_space<vmem>> -> memref<128xi32, #tpu.memory_space<vmem>>
        %dma_start3A_464 = arith.constant 0 : i32
        %dma_start3A_465 = arith.constant 0 : i32
        %dma_start3A_466 = tpu.memref_slice %arg7[%dma_start3A_464, %dma_start3A_465] : memref<1000x128xf32, #tpu.memory_space<vmem_shared>> -> memref<1000x128xf32, #tpu.memory_space<vmem_shared>>
        tpu.enqueue_indirect_dma source(%dma_start3A_466 : memref<1000x128xf32, #tpu.memory_space<vmem_shared>>) target(%dma_start3A_460 : memref<128x128xf32, #tpu.memory_space<vmem>>) offsets(%dma_start3A_463 : memref<128xi32, #tpu.memory_space<vmem>>) semaphore(%arg11 : memref<!tpu.dma_semaphore, #tpu.memory_space<semaphore_mem>>)
        %add3A_467 = arith.constant 4 : i32
        %add3A_468 = arith.addi %mul3A_155, %add3A_467 : i32
        %mul3A_469 = arith.constant 4096 : i32
        %mul3A_470 = arith.muli %add3A_468, %mul3A_469 : i32
        %mul3A_471 = arith.constant 128 : i32
        %mul3A_472 = arith.muli %add3A, %mul3A_471 : i32
        %add3A_473 = arith.addi %mul3A_470, %mul3A_472 : i32
        %dma_wait3A_474 = arith.constant 4 : i32
        %dma_wait3A_475 = arith.constant 0 : i32
        %dma_wait3A_476 = arith.constant 0 : i32
        %dma_wait3A_477 = tpu.memref_slice %arg6[%dma_wait3A_474, %dma_wait3A_475, %dma_wait3A_476] : memref<5x128x128xf32, #tpu.memory_space<vmem>> -> memref<1x128x128xf32, #tpu.memory_space<vmem>>
        %dma_wait3A_478 = tpu.memref_squeeze %dma_wait3A_477 : memref<1x128x128xf32, #tpu.memory_space<vmem>> -> memref<128x128xf32, #tpu.memory_space<vmem>>
        %dma_wait3A_479 = arith.constant 0 : i32
        %dma_wait3A_480 = tpu.memref_slice %arg4[%add3A_473, %dma_wait3A_479] : memref<204800x128xf32, #tpu.memory_space<hbm>> -> memref<128x128xf32, #tpu.memory_space<hbm>>
        %dma_wait3A_481 = arith.constant 0 : i32
        %dma_wait3A_482 = tpu.memref_slice %arg4[%add3A_473, %dma_wait3A_481] : memref<204800x128xf32, #tpu.memory_space<hbm>> -> memref<128x128xf32, #tpu.memory_space<hbm>>
        %dma_wait3A_483 = arith.constant 0 : i32
        %dma_wait3A_484 = arith.constant 0 : i32
        %dma_wait3A_485 = tpu.memref_slice %arg6[%dma_wait3A_474, %dma_wait3A_483, %dma_wait3A_484] : memref<5x128x128xf32, #tpu.memory_space<vmem>> -> memref<1x128x128xf32, #tpu.memory_space<vmem>>
        %dma_wait3A_486 = tpu.memref_squeeze %dma_wait3A_485 : memref<1x128x128xf32, #tpu.memory_space<vmem>> -> memref<128x128xf32, #tpu.memory_space<vmem>>
        tpu.wait_dma2 semaphore(%arg17 : memref<!tpu.dma_semaphore, #tpu.memory_space<semaphore_mem>>) src(%dma_wait3A_486 : memref<128x128xf32, #tpu.memory_space<vmem>>) dst(%dma_wait3A_482 : memref<128x128xf32, #tpu.memory_space<hbm>>)
        %add3A_487 = arith.constant 5 : i32
        %add3A_488 = arith.addi %mul3A_155, %add3A_487 : i32
        %add3A_489 = arith.constant 4 : i32
        %add3A_490 = arith.addi %add3A_488, %add3A_489 : i32
        %dma_start3A_491 = arith.constant 4 : i32
        %dma_start3A_492 = arith.constant 0 : i32
        %dma_start3A_493 = arith.constant 0 : i32
        %dma_start3A_494 = tpu.memref_slice %arg6[%dma_start3A_491, %dma_start3A_492, %dma_start3A_493] : memref<5x128x128xf32, #tpu.memory_space<vmem>> -> memref<1x128x128xf32, #tpu.memory_space<vmem>>
        %dma_start3A_495 = tpu.memref_squeeze %dma_start3A_494 : memref<1x128x128xf32, #tpu.memory_space<vmem>> -> memref<128x128xf32, #tpu.memory_space<vmem>>
        %dma_start3A_496 = arith.constant 0 : i32
        %dma_start3A_497 = tpu.memref_slice %arg5[%add3A_490, %dma_start3A_496] : memref<50x128xi32, #tpu.memory_space<vmem>> -> memref<1x128xi32, #tpu.memory_space<vmem>>
        %dma_start3A_498 = tpu.memref_squeeze %dma_start3A_497 : memref<1x128xi32, #tpu.memory_space<vmem>> -> memref<128xi32, #tpu.memory_space<vmem>>
        %dma_start3A_499 = arith.constant 0 : i32
        %dma_start3A_500 = arith.constant 0 : i32
        %dma_start3A_501 = tpu.memref_slice %arg7[%dma_start3A_499, %dma_start3A_500] : memref<1000x128xf32, #tpu.memory_space<vmem_shared>> -> memref<1000x128xf32, #tpu.memory_space<vmem_shared>>
        tpu.enqueue_indirect_dma source(%dma_start3A_501 : memref<1000x128xf32, #tpu.memory_space<vmem_shared>>) target(%dma_start3A_495 : memref<128x128xf32, #tpu.memory_space<vmem>>) offsets(%dma_start3A_498 : memref<128xi32, #tpu.memory_space<vmem>>) semaphore(%arg12 : memref<!tpu.dma_semaphore, #tpu.memory_space<semaphore_mem>>)
      } else {
      }
    }
    %scan3A_68 = arith.constant 10 : i32
    %mul3A_69 = arith.constant 128 : i32
    %mul3A_70 = arith.muli %add3A, %mul3A_69 : i32
    %add3A_71 = arith.constant 184320 : i32
    %add3A_72 = arith.addi %add3A_71, %mul3A_70 : i32
    %dma_wait3A = arith.constant 0 : i32
    %dma_wait3A_73 = arith.constant 0 : i32
    %dma_wait3A_74 = arith.constant 0 : i32
    %dma_wait3A_75 = tpu.memref_slice %arg6[%dma_wait3A, %dma_wait3A_73, %dma_wait3A_74] : memref<5x128x128xf32, #tpu.memory_space<vmem>> -> memref<1x128x128xf32, #tpu.memory_space<vmem>>
    %dma_wait3A_76 = tpu.memref_squeeze %dma_wait3A_75 : memref<1x128x128xf32, #tpu.memory_space<vmem>> -> memref<128x128xf32, #tpu.memory_space<vmem>>
    %dma_wait3A_77 = arith.constant 0 : i32
    %dma_wait3A_78 = tpu.memref_slice %arg4[%add3A_72, %dma_wait3A_77] : memref<204800x128xf32, #tpu.memory_space<hbm>> -> memref<128x128xf32, #tpu.memory_space<hbm>>
    %dma_wait3A_79 = arith.constant 0 : i32
    %dma_wait3A_80 = tpu.memref_slice %arg4[%add3A_72, %dma_wait3A_79] : memref<204800x128xf32, #tpu.memory_space<hbm>> -> memref<128x128xf32, #tpu.memory_space<hbm>>
    %dma_wait3A_81 = arith.constant 0 : i32
    %dma_wait3A_82 = arith.constant 0 : i32
    %dma_wait3A_83 = tpu.memref_slice %arg6[%dma_wait3A, %dma_wait3A_81, %dma_wait3A_82] : memref<5x128x128xf32, #tpu.memory_space<vmem>> -> memref<1x128x128xf32, #tpu.memory_space<vmem>>
    %dma_wait3A_84 = tpu.memref_squeeze %dma_wait3A_83 : memref<1x128x128xf32, #tpu.memory_space<vmem>> -> memref<128x128xf32, #tpu.memory_space<vmem>>
    tpu.wait_dma2 semaphore(%arg13 : memref<!tpu.dma_semaphore, #tpu.memory_space<semaphore_mem>>) src(%dma_wait3A_84 : memref<128x128xf32, #tpu.memory_space<vmem>>) dst(%dma_wait3A_80 : memref<128x128xf32, #tpu.memory_space<hbm>>)
    %mul3A_85 = arith.constant 128 : i32
    %mul3A_86 = arith.muli %add3A, %mul3A_85 : i32
    %add3A_87 = arith.constant 188416 : i32
    %add3A_88 = arith.addi %add3A_87, %mul3A_86 : i32
    %dma_wait3A_89 = arith.constant 1 : i32
    %dma_wait3A_90 = arith.constant 0 : i32
    %dma_wait3A_91 = arith.constant 0 : i32
    %dma_wait3A_92 = tpu.memref_slice %arg6[%dma_wait3A_89, %dma_wait3A_90, %dma_wait3A_91] : memref<5x128x128xf32, #tpu.memory_space<vmem>> -> memref<1x128x128xf32, #tpu.memory_space<vmem>>
    %dma_wait3A_93 = tpu.memref_squeeze %dma_wait3A_92 : memref<1x128x128xf32, #tpu.memory_space<vmem>> -> memref<128x128xf32, #tpu.memory_space<vmem>>
    %dma_wait3A_94 = arith.constant 0 : i32
    %dma_wait3A_95 = tpu.memref_slice %arg4[%add3A_88, %dma_wait3A_94] : memref<204800x128xf32, #tpu.memory_space<hbm>> -> memref<128x128xf32, #tpu.memory_space<hbm>>
    %dma_wait3A_96 = arith.constant 0 : i32
    %dma_wait3A_97 = tpu.memref_slice %arg4[%add3A_88, %dma_wait3A_96] : memref<204800x128xf32, #tpu.memory_space<hbm>> -> memref<128x128xf32, #tpu.memory_space<hbm>>
    %dma_wait3A_98 = arith.constant 0 : i32
    %dma_wait3A_99 = arith.constant 0 : i32
    %dma_wait3A_100 = tpu.memref_slice %arg6[%dma_wait3A_89, %dma_wait3A_98, %dma_wait3A_99] : memref<5x128x128xf32, #tpu.memory_space<vmem>> -> memref<1x128x128xf32, #tpu.memory_space<vmem>>
    %dma_wait3A_101 = tpu.memref_squeeze %dma_wait3A_100 : memref<1x128x128xf32, #tpu.memory_space<vmem>> -> memref<128x128xf32, #tpu.memory_space<vmem>>
    tpu.wait_dma2 semaphore(%arg14 : memref<!tpu.dma_semaphore, #tpu.memory_space<semaphore_mem>>) src(%dma_wait3A_101 : memref<128x128xf32, #tpu.memory_space<vmem>>) dst(%dma_wait3A_97 : memref<128x128xf32, #tpu.memory_space<hbm>>)
    %mul3A_102 = arith.constant 128 : i32
    %mul3A_103 = arith.muli %add3A, %mul3A_102 : i32
    %add3A_104 = arith.constant 192512 : i32
    %add3A_105 = arith.addi %add3A_104, %mul3A_103 : i32
    %dma_wait3A_106 = arith.constant 2 : i32
    %dma_wait3A_107 = arith.constant 0 : i32
    %dma_wait3A_108 = arith.constant 0 : i32
    %dma_wait3A_109 = tpu.memref_slice %arg6[%dma_wait3A_106, %dma_wait3A_107, %dma_wait3A_108] : memref<5x128x128xf32, #tpu.memory_space<vmem>> -> memref<1x128x128xf32, #tpu.memory_space<vmem>>
    %dma_wait3A_110 = tpu.memref_squeeze %dma_wait3A_109 : memref<1x128x128xf32, #tpu.memory_space<vmem>> -> memref<128x128xf32, #tpu.memory_space<vmem>>
    %dma_wait3A_111 = arith.constant 0 : i32
    %dma_wait3A_112 = tpu.memref_slice %arg4[%add3A_105, %dma_wait3A_111] : memref<204800x128xf32, #tpu.memory_space<hbm>> -> memref<128x128xf32, #tpu.memory_space<hbm>>
    %dma_wait3A_113 = arith.constant 0 : i32
    %dma_wait3A_114 = tpu.memref_slice %arg4[%add3A_105, %dma_wait3A_113] : memref<204800x128xf32, #tpu.memory_space<hbm>> -> memref<128x128xf32, #tpu.memory_space<hbm>>
    %dma_wait3A_115 = arith.constant 0 : i32
    %dma_wait3A_116 = arith.constant 0 : i32
    %dma_wait3A_117 = tpu.memref_slice %arg6[%dma_wait3A_106, %dma_wait3A_115, %dma_wait3A_116] : memref<5x128x128xf32, #tpu.memory_space<vmem>> -> memref<1x128x128xf32, #tpu.memory_space<vmem>>
    %dma_wait3A_118 = tpu.memref_squeeze %dma_wait3A_117 : memref<1x128x128xf32, #tpu.memory_space<vmem>> -> memref<128x128xf32, #tpu.memory_space<vmem>>
    tpu.wait_dma2 semaphore(%arg15 : memref<!tpu.dma_semaphore, #tpu.memory_space<semaphore_mem>>) src(%dma_wait3A_118 : memref<128x128xf32, #tpu.memory_space<vmem>>) dst(%dma_wait3A_114 : memref<128x128xf32, #tpu.memory_space<hbm>>)
    %mul3A_119 = arith.constant 128 : i32
    %mul3A_120 = arith.muli %add3A, %mul3A_119 : i32
    %add3A_121 = arith.constant 196608 : i32
    %add3A_122 = arith.addi %add3A_121, %mul3A_120 : i32
    %dma_wait3A_123 = arith.constant 3 : i32
    %dma_wait3A_124 = arith.constant 0 : i32
    %dma_wait3A_125 = arith.constant 0 : i32
    %dma_wait3A_126 = tpu.memref_slice %arg6[%dma_wait3A_123, %dma_wait3A_124, %dma_wait3A_125] : memref<5x128x128xf32, #tpu.memory_space<vmem>> -> memref<1x128x128xf32, #tpu.memory_space<vmem>>
    %dma_wait3A_127 = tpu.memref_squeeze %dma_wait3A_126 : memref<1x128x128xf32, #tpu.memory_space<vmem>> -> memref<128x128xf32, #tpu.memory_space<vmem>>
    %dma_wait3A_128 = arith.constant 0 : i32
    %dma_wait3A_129 = tpu.memref_slice %arg4[%add3A_122, %dma_wait3A_128] : memref<204800x128xf32, #tpu.memory_space<hbm>> -> memref<128x128xf32, #tpu.memory_space<hbm>>
    %dma_wait3A_130 = arith.constant 0 : i32
    %dma_wait3A_131 = tpu.memref_slice %arg4[%add3A_122, %dma_wait3A_130] : memref<204800x128xf32, #tpu.memory_space<hbm>> -> memref<128x128xf32, #tpu.memory_space<hbm>>
    %dma_wait3A_132 = arith.constant 0 : i32
    %dma_wait3A_133 = arith.constant 0 : i32
    %dma_wait3A_134 = tpu.memref_slice %arg6[%dma_wait3A_123, %dma_wait3A_132, %dma_wait3A_133] : memref<5x128x128xf32, #tpu.memory_space<vmem>> -> memref<1x128x128xf32, #tpu.memory_space<vmem>>
    %dma_wait3A_135 = tpu.memref_squeeze %dma_wait3A_134 : memref<1x128x128xf32, #tpu.memory_space<vmem>> -> memref<128x128xf32, #tpu.memory_space<vmem>>
    tpu.wait_dma2 semaphore(%arg16 : memref<!tpu.dma_semaphore, #tpu.memory_space<semaphore_mem>>) src(%dma_wait3A_135 : memref<128x128xf32, #tpu.memory_space<vmem>>) dst(%dma_wait3A_131 : memref<128x128xf32, #tpu.memory_space<hbm>>)
    %mul3A_136 = arith.constant 128 : i32
    %mul3A_137 = arith.muli %add3A, %mul3A_136 : i32
    %add3A_138 = arith.constant 200704 : i32
    %add3A_139 = arith.addi %add3A_138, %mul3A_137 : i32
    %dma_wait3A_140 = arith.constant 4 : i32
    %dma_wait3A_141 = arith.constant 0 : i32
    %dma_wait3A_142 = arith.constant 0 : i32
    %dma_wait3A_143 = tpu.memref_slice %arg6[%dma_wait3A_140, %dma_wait3A_141, %dma_wait3A_142] : memref<5x128x128xf32, #tpu.memory_space<vmem>> -> memref<1x128x128xf32, #tpu.memory_space<vmem>>
    %dma_wait3A_144 = tpu.memref_squeeze %dma_wait3A_143 : memref<1x128x128xf32, #tpu.memory_space<vmem>> -> memref<128x128xf32, #tpu.memory_space<vmem>>
    %dma_wait3A_145 = arith.constant 0 : i32
    %dma_wait3A_146 = tpu.memref_slice %arg4[%add3A_139, %dma_wait3A_145] : memref<204800x128xf32, #tpu.memory_space<hbm>> -> memref<128x128xf32, #tpu.memory_space<hbm>>
    %dma_wait3A_147 = arith.constant 0 : i32
    %dma_wait3A_148 = tpu.memref_slice %arg4[%add3A_139, %dma_wait3A_147] : memref<204800x128xf32, #tpu.memory_space<hbm>> -> memref<128x128xf32, #tpu.memory_space<hbm>>
    %dma_wait3A_149 = arith.constant 0 : i32
    %dma_wait3A_150 = arith.constant 0 : i32
    %dma_wait3A_151 = tpu.memref_slice %arg6[%dma_wait3A_140, %dma_wait3A_149, %dma_wait3A_150] : memref<5x128x128xf32, #tpu.memory_space<vmem>> -> memref<1x128x128xf32, #tpu.memory_space<vmem>>
    %dma_wait3A_152 = tpu.memref_squeeze %dma_wait3A_151 : memref<1x128x128xf32, #tpu.memory_space<vmem>> -> memref<128x128xf32, #tpu.memory_space<vmem>>
    tpu.wait_dma2 semaphore(%arg17 : memref<!tpu.dma_semaphore, #tpu.memory_space<semaphore_mem>>) src(%dma_wait3A_152 : memref<128x128xf32, #tpu.memory_space<vmem>>) dst(%dma_wait3A_148 : memref<128x128xf32, #tpu.memory_space<hbm>>)
    return
  }
}

</mosaic_0001>

<sc_bundles>
// kernel: kernel.3.cloned.1.call-start
scs
__scs_entry_jumppad:
0x0: {  	(pc) =	sbr.rel $0x88, $3  }
0x1: {  	(tag) =	ssettag $0x0;
	lr =	simm.s32 $0x1  }
0x2: {  	[smem:$0x3F9F] =	sst lr;
	_ =	strace $0xD0000000  }
0x3: {  	_ = 	snop  }
0x4: {  	_ = 	snop  }
0x5: {  	_ = 	snop  }
0x6: {  	_ = 	snop  }
0x7: {  	_ = 	snop  }
__scs_overlays_trampoline_lowered:
0x8: {  	[smem:$0x3FAE] =	sst s0  }
0x9: {  	[smem:$0x3FAF] =	sst s1  }
0xa: {  	[smem:$0x3FB0] =	sst s2  }
0xb: {  	[smem:$0x3FB1] =	sst s3  }
0xc: {  	[smem:$0x3FB2] =	sst s4  }
0xd: {  	[smem:$0x3FB3] =	sst s5  }
0xe: {  	[smem:$0x3FB4] =	sst s6  }
0xf: {  	[smem:$0x3FB5] =	sst s7  }
0x10: {  	[smem:$0x3FB6] =	sst s8  }
0x11: {  	[smem:$0x3FB7] =	sst s9;
	s0 =	simm.s32 @!p0 $0x0  }
0x12: {  	s1 =	sld [smem:$0x3F9D];
	s0 =	simm.s32 @p0 $0x1  }
0x13: {  	[smem:$0x3FB8] =	sst s0;
	s0 =	simm.s32 @!p1 $0x0  }
0x14: {  	s2 =	sld [smem:$0x3F9C];
	s0 =	simm.s32 @p1 $0x1  }
0x15: {  	[smem:$0x3FB9] =	sst s0;
	s0 =	simm.s32 @!p2 $0x0  }
0x16: {  	s3 =	sld [smem:$0x3FDB];
	s0 =	simm.s32 @p2 $0x1  }
0x17: {  	s4 =	simm.s32 $0x1BF5;
	[smem:$0x3FBB] =	sst s0  }
0x18: {  	s0 =	sld [smem:$0x3F9E];
	_ =	swait.ge [sflag:s4], $0x0  }
0x19: {  	s7 =	sld [smem:$0x3F9F]  }
0x1a: {  	s8 =	sadd.s32 $0xFFFFE003, lr  }
0x1b: {  	s9 =	sadd.s32 $0xFFFFFEF7, lr;
	s5 =	simm.s32 $0xFFFFFFFF;
	p2 =	slt.u32 s8, $0xFFFFF086  }
0x1c: {  	p1 =	slt.u32 s9, $0xF7A;
	s5 =	simm.s32 @!p2 $0x0  }
0x1d: {  	s5 =	simm.s32 @p1 $0x1;
	p0 =	seq.s32 s7, s2  }
0x1e: {  	s7 =	smul.u32 @!p0 $0xF7A, s2;
	p2 =	seq.s32 @!p0 s5, $0x0  }
0x1f: {  	s9 =	smul.u32 $0xF7A, s1;
	s8 =	simm.s32 @!p0 $0x1BF5;
	p2 =	por !p2, p0  }
0x20: {  	[sflag:s8] =	ssyncset.s32 @!p0 $0xFFFFF086;
	s6 =	sadd.s32 @!p0 s3, s7;
	s7 =	simm.s32 @!p0 $0x108  }
0x21: {  	s3 =	sadd.s32 s3, s9;
	s6 =	sadd.s32 @!p0 $0x88, s6;
	s7 =	simm.s32 @p2 $0x1082  }
0x22: {  	[simem:s7], [sflag:s8] =	dma.local @!p0 [hbm:s6], $0xF7A  }
0x23: {  	s9 =	sor.u32 $0xD0000000, s2;
	s6 =	simm.s32 $0x108;
	_ =	swait.ge @!p0 [sflag:s8], $0x0  }
0x24: {  	s3 =	sadd.s32 $0x88, s3;
	s6 =	simm.s32 @!p1 $0x1082;
	[sflag:s4] =	ssyncset.s32 $0xFFFFF086  }
0x25: {  	[simem:s6], [sflag:s4] =	dma.local [hbm:s3], $0xF7A  }
0x26: {  	[smem:$0x3F9F] =	sst s1;
	(tag) =	ssettag s2;
	_ =	strace s9  }
0x27: {  	s1 =	sld [smem:$0x3FAF]  }
0x28: {  	s2 =	sld [smem:$0x3FB0]  }
0x29: {  	s4 =	sld [smem:$0x3FB2]  }
0x2a: {  	p0 =	seq.s32 s5, $0x0;
	s5 =	sld [smem:$0x3FB3]  }
0x2b: {  	s6 =	sld [smem:$0x3FB4]  }
0x2c: {  	s7 =	sld [smem:$0x3FB5]  }
0x2d: {  	s3 =	simm.s32 $0x108;
	s8 =	sld [smem:$0x3FB6]  }
0x2e: {  	s3 =	simm.s32 @!p0 $0x1082;
	s9 =	sld [smem:$0x3FB7]  }
0x2f: {  	lr =	sadd.s32 s0, s3;
	s0 =	sld [smem:$0x3FAE]  }
0x30: {  	s3 =	sld [smem:$0x3FB1]  }
0x31: {  	[smem:$0x3FBA] =	sst s10  }
0x32: {  	s10 =	sld [smem:$0x3FB8];
	_ =	sdelay $0x3  }
0x33: {  	p0 =	seq.s32 s10, $0x1;
	s10 =	sld [smem:$0x3FBA];
	_ =	sdelay $0x3  }
0x34: {  	[smem:$0x3FBA] =	sst s10  }
0x35: {  	s10 =	sld [smem:$0x3FB9];
	_ =	sdelay $0x3  }
0x36: {  	p1 =	seq.s32 s10, $0x1;
	s10 =	sld [smem:$0x3FBA];
	_ =	sdelay $0x3  }
0x37: {  	[smem:$0x3FBA] =	sst s10  }
0x38: {  	s10 =	sld [smem:$0x3FBB]  }
0x39: {  	_ = 	snop;
	(pc) =	sbr.ind lr, $3  }
0x3a: {  	_ = 	snop  }
0x3b: {  	_ = 	snop  }
0x3c: {  	p2 =	seq.s32 s10, $0x1;
	s10 =	sld [smem:$0x3FBA]  }
0x3d: {  	_ =	shalt  }
0x3e: {  	_ =	shalt  }
0x3f: {  	_ =	shalt  }
0x40: {  	_ =	shalt  }
0x41: {  	_ =	shalt  }
0x42: {  	_ =	shalt  }
0x43: {  	_ =	shalt  }
0x44: {  	_ =	shalt  }
0x45: {  	_ =	shalt  }
0x46: {  	_ =	shalt  }
0x47: {  	_ =	shalt  }
0x48: {  	_ =	shalt  }
0x49: {  	_ =	shalt  }
0x4a: {  	_ =	shalt  }
0x4b: {  	_ =	shalt  }
0x4c: {  	_ =	shalt  }
0x4d: {  	_ =	shalt  }
0x4e: {  	_ =	shalt  }
0x4f: {  	_ =	shalt  }
0x50: {  	_ =	shalt  }
0x51: {  	_ =	shalt  }
0x52: {  	_ =	shalt  }
0x53: {  	_ =	shalt  }
0x54: {  	_ =	shalt  }
0x55: {  	_ =	shalt  }
0x56: {  	_ =	shalt  }
0x57: {  	_ =	shalt  }
0x58: {  	_ =	shalt  }
0x59: {  	_ =	shalt  }
0x5a: {  	_ =	shalt  }
0x5b: {  	_ =	shalt  }
0x5c: {  	_ =	shalt  }
0x5d: {  	_ =	shalt  }
0x5e: {  	_ =	shalt  }
0x5f: {  	_ =	shalt  }
0x60: {  	_ =	shalt  }
0x61: {  	_ =	shalt  }
0x62: {  	_ =	shalt  }
0x63: {  	_ =	shalt  }
0x64: {  	_ =	shalt  }
0x65: {  	_ =	shalt  }
0x66: {  	_ =	shalt  }
0x67: {  	_ =	shalt  }
0x68: {  	_ =	shalt  }
0x69: {  	_ =	shalt  }
0x6a: {  	_ =	shalt  }
0x6b: {  	_ =	shalt  }
0x6c: {  	_ =	shalt  }
0x6d: {  	_ =	shalt  }
0x6e: {  	_ =	shalt  }
0x6f: {  	_ =	shalt  }
0x70: {  	_ =	shalt  }
0x71: {  	_ =	shalt  }
0x72: {  	_ =	shalt  }
0x73: {  	_ =	shalt  }
0x74: {  	_ =	shalt  }
0x75: {  	_ =	shalt  }
0x76: {  	_ =	shalt  }
0x77: {  	_ =	shalt  }
0x78: {  	_ =	shalt  }
0x79: {  	_ =	shalt  }
0x7a: {  	_ =	shalt  }
0x7b: {  	_ =	shalt  }
0x7c: {  	_ =	shalt  }
0x7d: {  	_ =	shalt  }
0x7e: {  	_ =	shalt  }
0x7f: {  	_ =	shalt  }
0x80: {  	_ =	shalt  }
0x81: {  	_ =	shalt  }
0x82: {  	_ =	shalt  }
0x83: {  	_ =	shalt  }
0x84: {  	_ =	shalt  }
0x85: {  	_ =	shalt  }
0x86: {  	_ =	shalt  }
0x87: {  	_ =	shalt  }
.Lfunc_end0:
.L_simem_size_0:
called_computation_lowered:
.L_overlay_start_0:
0x88: {  	s2 =	sld [smem:$0x3FD9]  }
0x89: {  	s3 =	sld [smem:$0x3FFE];
	_ =	sdelay $0x1  }
0x8a: {  	s1 =	srdreg.scid  }
0x8b: {  	s0 =	sand.u32 $0x1, s1  }
0x8c: {  	s18 =	sshll.u32 s0, $0xA;
	s2 =	sadd.s32 s3, s2  }
0x8d: {  	s2 =	sadd.s32 s2, s18  }
0x8e: {  	[smem:$0x3FC6] =	sst s2  }
0x8f: {  	_ = 	snop  }
0x90: {  	s2 =	sld [smem:$0x3FC9]  }
0x91: {  	s19 =	sld [smem:$0x3FC8]  }
0x92: {  	s4 =	sld [smem:$0x3FD0];
	(tm) =	ssettm $0x1  }
0x93: {  	s5 =	sld [smem:$0x3FFB];
	_ =	sdelay $0x3  }
0x94: {  	_ =	strace s5  }
0x95: {  	s5 =	sld [smem:$0x3FFC];
	_ =	sdelay $0x3  }
0x96: {  	_ =	strace s5  }
0x97: {  	s5 =	sld [smem:$0x3FFD];
	_ =	sdelay $0x3  }
0x98: {  	_ =	strace s5  }
0x99: {  	_ =	strace $0x8FFFFFFF  }
0x9a: {  	s20 =	sld [smem:$0x3FDB];
	_ =	sdelay $0x1  }
0x9b: {  	s6 =	simm.s32 $_scs_section_size  }
0x9c: {  	s7 =	simm.s32 $_size__tile_overlayer_lowered;
	s8 =	simm.s32 $_tile_overlayer_lowered  }
0x9d: {  	s23 =	simm.s32 $0x1BFF;
	s22 =	sshll.u32 s8, $0x1;
	s5 =	sadd.s32 s6, s20  }
0x9e: {  	s9 =	simm.s32 $0x0;
	s21 =	sshll.u32 s7, $0x1;
	s7 =	sadd.s32 s22, s5  }
0x9f: {  	[timem:s9], [sflag:s23] =	dma.local [hbm:s7], s21  }
0xa0: {  	_ =	swait.ge [sflag:s23], s21  }
0xa1: {  	s6 =	ssub.s32 $0x0, s21;
	[sflag:s23] =	ssyncset.done $0x0  }
0xa2: {  	[sflag:s23] =	ssyncadd.s32 s6;
	_ =	sdelay $0x1  }
0xa3: {  	s24 =	simm.s32 $0x1B8B  }
0xa4: {  	_ =	swait.ge [sflag:s24], $0x1  }
0xa5: {  	[sflag:s24] =	ssyncset.done $0x0  }
0xa6: {  	s25 =	simm.s32 $0x1B8E;
	[sflag:s24] =	ssyncadd.s32 $0xFFFFFFFF  }
0xa7: {  	s26 =	simm.s32 $execute0_lowered;
	[smem:$0x3FD2] =	sst s25  }
0xa8: {  	s6 =	sshll.u32 s26, $0x1;
	_ =	strace $0x80000046;
	[dreg:$0x1] =	wrdreg $0xFFFFFFFF  }
0xa9: {  	s28 =	simm.s32 $_size_execute0_lowered;
	s5 =	sadd.s32 s5, s6;
	[dreg:$0x0] =	wrdreg $0x0  }
0xaa: {  	s6 =	sshll.u32 s28, $0x1;
	[dreg:$0x2] =	wrdreg s5  }
0xab: {  	[dreg:$0x3] =	wrdreg s6  }
0xac: {  	[dreg:$0x4] =	wrdreg $0xC0  }
0xad: {  	_ =	task [dreg:s9], $0x5FFFF  }
0xae: {  	[dreg:$0x1] =	wrdreg $0xFFFFFFFF  }
0xaf: {  	[dreg:$0x0] =	wrdreg $0x60  }
0xb0: {  	[dreg:$0x2] =	wrdreg s2  }
0xb1: {  	[dreg:$0x3] =	wrdreg s19  }
0xb2: {  	[dreg:$0x4] =	wrdreg s4  }
0xb3: {  	[dreg:$0x5] =	wrdreg $0x15C000  }
0xb4: {  	[dreg:$0x6] =	wrdreg $0x9  }
0xb5: {  	_ =	task.clear_ibuf [dreg:s9], $0x7FFFF;
	_ =	strace $0x90000046  }
0xb6: {  	s29 =	simm.s32 $0x9;
	_ =	strace $0x80000048  }
0xb7: {  	_ =	swait.ge [sflag:s29], $0x1  }
0xb8: {  	[sflag:s29] =	ssyncadd.s32 $0xFFFFFFFF  }
0xb9: {  	_ =	strace $0x90000048  }
0xba: {  	_ =	sfence  }
0xbb: {  	s30 =	sld [smem:$0x0];
	_ =	sdelay $0x2  }
0xbc: {  	s31 =	sshll.u32 s1, $0xD;
	s1 =	sshrl.u32 s1, $0x2  }
0xbd: {  	s3 =	sand.u32 $0x4000, s31;
	s1 =	sadd.s32 s1, s30  }
0xbe: {  	s0 =	sor.u32 s3, s0;
	s1 =	sshll.u32 s1, $0x11  }
0xbf: {  	s0 =	sor.u32 s1, s0  }
0xc0: {  	s0 =	sadd.s32 $0x8F2B, s0  }
0xc1: {  	[sflag:s0] =	ssyncadd.remote.s32 $0x1  }
0xc2: {  	_ =	sfence.sel $0xFFFF  }
0xc3: {  	[dreg:$0x0] =	wrdreg $0xFFFFFFFF;
	(pc) =	sbr.abs _section_cstart, $3  }
0xc4: {  	[dreg:$0x1] =	wrdreg $0xFFFFFFFF  }
0xc5: {  	_ =	task.clear_ibuf [dreg:s9], $0x2FFFF;
	_ =	strace $0x9FFFFFFF  }
0xc6: {  	(tm) =	ssettm $0x7FFFFFFF  }
0xc7: {  	_ =	shalt  }
tec
execute0_lowered:
.L_overlay_start_1:
0x0: {  	(tag) =	ssettag $0x1  }
0x1: {  	s0 =	rddreg [dreg:$0x0]  }
0x2: {  	s1 =	rddreg [dreg:$0x2]  }
0x3: {  	s2 =	rddreg [dreg:$0x3]  }
0x4: {  	s4 =	srdreg.scid;
	s3 =	simm.s32 $0x0;
	s7 =	stileid.u32  }
0x5: {  	s12 =	simm.s32 $0xB;
	s13 =	simm.s32 $0x80;
	s14 =	simm.s32 $0x1C00  }
0x6: {  	s15 =	simm.s32 $0x5C00;
	s17 =	simm.s32 $0x9C00;
	s19 =	simm.s32 $0xDC00  }
0x7: {  	s21 =	simm.s32 $0x11C00;
	s22 =	simm.s32 $0x1;
	s23 =	simm.s32 $0x2  }
0x8: {  	s28 =	simm.s32 $0x6;
	s29 =	simm.s32 $0x7;
	s30 =	simm.s32 $0x8  }
0x9: {  	s31 =	simm.s32 $0x9;
	s6 =	sand.u32 $0x1, s4;
	[smem:$0x7FF] =	sst s3  }
0xa: {  	s8 =	sshll.u32 s7, $0x8;
	s25 =	sshll.u32 s7, $0xC;
	p0 =	sne.s32 s7, $0x0  }
0xb: {  	s4 =	ssub.s32 $0x2, s6;
	s9 =	sshll.u32 s6, $0x7;
	_ =	strace $0x80000047  }
0xc: {  	s26 =	sshll.u32 s6, $0xB;
	s5 =	sshrl.u32 s4, $0x1;
	s24 =	sor.u32 s9, s8  }
0xd: {  	s7 =	sshrl.u32 @!p0 s2, $0x3;
	s5 =	ssub.s32 s4, s5;
	s4 =	sadd.s32 s0, s24  }
0xe: {  	s0 =	sadd.s32 s25, s1;
	s24 =	simm.s32 $0x3;
	s25 =	simm.s32 $0x4  }
0xf: {  	s1 =	simm.s32 $0x0;
	s5 =	smax.u32 s5, $0x1;
	s8 =	sadd.s32 s26, s0  }
0x10: {  	s10 =	sadd.s32 $0x6000, s4;
	s26 =	simm.s32 $0x5;
	s0 =	simm.s32 $0xA  }
.LBB2_1:
0x11: {  	s6 =	simm.s32 @!p0 $0x1C0B;
	s9 =	rddreg [dreg:$0x1]  }
0x12: {  	[spmem:s7], [sflag:s6] =	dma.local @!p0 [hbm:s9], $0x3E80  }
0x13: {  	s6 =	simm.s32 @!p0 $0xB  }
0x14: {  	_ =	swait.ge @!p0 [sflag:s6], $0x3E80  }
0x15: {  	[sflag:s6] =	ssyncset.done @!p0 $0x0  }
0x16: {  	s18 =	simm.s32 $0x400;
	s20 =	simm.s32 $0x8000;
	[sflag:s6] =	ssyncadd.s32 @!p0 $0xFFFFC180  }
0x17: {  	[tilespmem:s3], [sflag:$0xB] =	stream.strided.gather [hbm4b:s4+s18], $0x1800, s20, s18, $0x38;
	[tilespmem:$0x17B40] =	vst v63  }
0x18: {  	s11 =	simm.s32 $0x1800  }
0x19: {  	[tilespmem:s11], [sflag:$0xB] =	stream.linear.gather [hbm4b:s10+s3], $0x100, $0x38;
	[tilespmem:$0x17B40] =	vst v63  }
0x1a: {  	_ =	swait.ge [sflag:s12], $0x1900  }
0x1b: {  	[sflag:s12] =	ssyncset.done $0x0  }
0x1c: {  	[sflag:s12] =	ssyncadd.s32 $0xFFFFE700  }
0x1d: {  	[bflag:$0x0] =	sbarrier.arrive $0xFFFF  }
0x1e: {  	[tilespmem:s14], [sflag:$0x1] =	stream.indirect.gather [spmem:s2], $0x80, s3, s13, $0xb8;
	[tilespmem:$0x17B40] =	vst v63  }
0x1f: {  	_ = 	snop  }
0x20: {  	[tilespmem:s15], [sflag:$0x2] =	stream.indirect.gather [spmem:s2], $0x80, s13, s13, $0xb8;
	[tilespmem:$0x17B40] =	vst v63  }
0x21: {  	s16 =	simm.s32 $0x100  }
0x22: {  	[tilespmem:s17], [sflag:$0x3] =	stream.indirect.gather [spmem:s2], $0x80, s16, s13, $0xb8;
	[tilespmem:$0x17B40] =	vst v63  }
0x23: {  	s18 =	simm.s32 $0x180  }
0x24: {  	[tilespmem:s19], [sflag:$0x4] =	stream.indirect.gather [spmem:s2], $0x80, s18, s13, $0xb8;
	[tilespmem:$0x17B40] =	vst v63  }
0x25: {  	s9 =	simm.s32 $0x0;
	s6 =	smov.u32 s8;
	s20 =	simm.s32 $0x200  }
0x26: {  	[tilespmem:s21], [sflag:$0x5] =	stream.indirect.gather [spmem:s2], $0x80, s20, s13, $0xb8;
	[tilespmem:$0x17B40] =	vst v63  }
.LBB2_2:
0x27: {  	_ =	swait.ge [sflag:s22], $0x4000  }
0x28: {  	[sflag:s22] =	ssyncset.done $0x0  }
0x29: {  	[sflag:s22] =	ssyncadd.s32 $0xFFFFC000  }
0x2a: {  	[hbm4b:s6+s3] =	stream.linear.scatter [tilespmem:s14], [sflag:$0x6], $0x4000, $0x38;
	[tilespmem:$0x17B40] =	vst v63  }
0x2b: {  	_ =	swait.ge [sflag:s23], $0x4000  }
0x2c: {  	[sflag:s23] =	ssyncset.done $0x0  }
0x2d: {  	s11 =	sadd.s32 $0x10000, s6;
	[sflag:s23] =	ssyncadd.s32 $0xFFFFC000  }
0x2e: {  	[hbm4b:s11+s3] =	stream.linear.scatter [tilespmem:s15], [sflag:$0x7], $0x4000, $0x38;
	[tilespmem:$0x17B40] =	vst v63  }
0x2f: {  	_ =	swait.ge [sflag:s24], $0x4000  }
0x30: {  	[sflag:s24] =	ssyncset.done $0x0  }
0x31: {  	s16 =	sadd.s32 $0x20000, s6;
	[sflag:s24] =	ssyncadd.s32 $0xFFFFC000  }
0x32: {  	[hbm4b:s16+s3] =	stream.linear.scatter [tilespmem:s17], [sflag:$0x8], $0x4000, $0x38;
	[tilespmem:$0x17B40] =	vst v63  }
0x33: {  	_ =	swait.ge [sflag:s25], $0x4000  }
0x34: {  	[sflag:s25] =	ssyncset.done $0x0  }
0x35: {  	s18 =	sadd.s32 $0x30000, s6;
	[sflag:s25] =	ssyncadd.s32 $0xFFFFC000  }
0x36: {  	[hbm4b:s18+s3] =	stream.linear.scatter [tilespmem:s19], [sflag:$0x9], $0x4000, $0x38;
	[tilespmem:$0x17B40] =	vst v63  }
0x37: {  	_ =	swait.ge [sflag:s26], $0x4000  }
0x38: {  	p1 =	seq.s32 s9, $0x5A00;
	[sflag:s26] =	ssyncset.done $0x0  }
0x39: {  	s20 =	sadd.s32 $0x40000, s6;
	s11 =	simm.s32 @!p1 $0x6;
	[sflag:s26] =	ssyncadd.s32 $0xFFFFC000  }
0x3a: {  	[hbm4b:s20+s3] =	stream.linear.scatter [tilespmem:s21], [sflag:$0xA], $0x4000, $0x38;
	[tilespmem:$0x17B40] =	vst v63  }
0x3b: {  	_ =	swait.ge @!p1 [sflag:s11], $0x4000  }
0x3c: {  	[sflag:s11] =	ssyncset.done @!p1 $0x0  }
0x3d: {  	[sflag:s11] =	ssyncadd.s32 @!p1 $0xFFFFC000;
	s11 =	sshra.s32 @!p1 s9, $0x2  }
0x3e: {  	s18 =	simm.s32 @!p1 $0x80;
	s20 =	simm.s32 @!p1 $0x1C00;
	s16 =	sadd.s32 @!p1 $0x280, s11  }
0x3f: {  	[tilespmem:s20], [sflag:$0x1] =	stream.indirect.gather @!p1 [spmem:s2], $0x80, s16, s18, $0xb8;
	[tilespmem:$0x17B40] =	vst v63  }
0x40: {  	s16 =	simm.s32 @!p1 $0x7  }
0x41: {  	_ =	swait.ge @!p1 [sflag:s16], $0x4000  }
0x42: {  	[sflag:s16] =	ssyncset.done @!p1 $0x0  }
0x43: {  	s20 =	simm.s32 @!p1 $0x5C00;
	[sflag:s16] =	ssyncadd.s32 @!p1 $0xFFFFC000;
	s16 =	sadd.s32 @!p1 $0x300, s11  }
0x44: {  	[tilespmem:s20], [sflag:$0x2] =	stream.indirect.gather @!p1 [spmem:s2], $0x80, s16, s18, $0xb8;
	[tilespmem:$0x17B40] =	vst v63  }
0x45: {  	s16 =	simm.s32 @!p1 $0x8  }
0x46: {  	_ =	swait.ge @!p1 [sflag:s16], $0x4000  }
0x47: {  	[sflag:s16] =	ssyncset.done @!p1 $0x0  }
0x48: {  	s20 =	simm.s32 @!p1 $0x9C00;
	[sflag:s16] =	ssyncadd.s32 @!p1 $0xFFFFC000;
	s16 =	sadd.s32 @!p1 $0x380, s11  }
0x49: {  	[tilespmem:s20], [sflag:$0x3] =	stream.indirect.gather @!p1 [spmem:s2], $0x80, s16, s18, $0xb8;
	[tilespmem:$0x17B40] =	vst v63  }
0x4a: {  	s9 =	sadd.s32 @!p1 $0xA00, s9;
	s16 =	simm.s32 @!p1 $0x9  }
0x4b: {  	p2 =	sne.s32 @!p1 s9, $0x6400;
	_ =	swait.ge @!p1 [sflag:s16], $0x4000  }
0x4c: {  	p2 =	por p1, !p2;
	[sflag:s16] =	ssyncset.done @!p1 $0x0  }
0x4d: {  	s20 =	simm.s32 @!p1 $0xDC00;
	[sflag:s16] =	ssyncadd.s32 @!p1 $0xFFFFC000;
	s16 =	sadd.s32 @!p1 $0x400, s11  }
0x4e: {  	[tilespmem:s20], [sflag:$0x4] =	stream.indirect.gather @!p1 [spmem:s2], $0x80, s16, s18, $0xb8;
	[tilespmem:$0x17B40] =	vst v63  }
.Ltmp0:
0x4f: {  	s16 =	simm.s32 @!p1 $0xA;
	(pc) =	sbr.rel @!p2 .LBB2_2-.Ltmp0, $4  }
0x50: {  	_ =	swait.ge @!p1 [sflag:s16], $0x4000  }
0x51: {  	s6 =	sadd.s32 @!p1 $0x50000, s6;
	[sflag:s16] =	ssyncset.done @!p1 $0x0  }
0x52: {  	s11 =	sadd.s32 @!p1 $0x480, s11;
	[sflag:s16] =	ssyncadd.s32 @!p1 $0xFFFFC000;
	s16 =	simm.s32 @!p1 $0x11C00  }
0x53: {  	[tilespmem:s16], [sflag:$0x5] =	stream.indirect.gather @!p1 [spmem:s2], $0x80, s11, s18, $0xb8;
	[tilespmem:$0x17B40] =	vst v63  }
0x54: {  	_ =	swait.ge [sflag:s28], $0x4000  }
0x55: {  	[sflag:s28] =	ssyncset.done $0x0  }
0x56: {  	[sflag:s28] =	ssyncadd.s32 $0xFFFFC000  }
0x57: {  	_ =	swait.ge [sflag:s29], $0x4000  }
0x58: {  	[sflag:s29] =	ssyncset.done $0x0  }
0x59: {  	[sflag:s29] =	ssyncadd.s32 $0xFFFFC000  }
0x5a: {  	_ =	swait.ge [sflag:s30], $0x4000  }
0x5b: {  	[sflag:s30] =	ssyncset.done $0x0  }
0x5c: {  	s1 =	sadd.s32 $0x1, s1;
	[sflag:s30] =	ssyncadd.s32 $0xFFFFC000  }
0x5d: {  	p1 =	sne.s32 s1, s5;
	_ =	swait.ge [sflag:s31], $0x4000  }
.Ltmp1:
0x5e: {  	[sflag:s31] =	ssyncset.done $0x0;
	(pc) =	sbr.rel @p1 .LBB2_1-.Ltmp1, $4  }
0x5f: {  	[sflag:s31] =	ssyncadd.s32 $0xFFFFC000  }
0x60: {  	_ =	swait.ge [sflag:s0], $0x4000  }
0x61: {  	[sflag:s0] =	ssyncset.done $0x0  }
0x62: {  	[sflag:s0] =	ssyncadd.s32 $0xFFFFC000  }
0x63: {  	_ =	sfence.sel $0x180000  }
0x64: {  	[bflag:$0x0] =	sbarrier.arrive $0xFFFF  }
0x65: {  	_ =	strace $0x90000047  }
0x66: {  	[bflag:$0x2] =	sbarrier.arrive $0xFFFF  }
0x67: {  	s0 =	rddreg [dreg:$0x4]  }
0x68: {  	s0 =	sadd.s32 @!p0 $0x100000, s0  }
0x69: {  	[sflag:s0] =	ssyncadd.tile.s32 @!p0 $0x1;
	_ =	shalt  }
.Lfunc_end2:
_tile_overlayer_lowered:
.L_overlay_start_2:
0x6a: {  	(tag) =	ssettag $0x2  }
0x6b: {  	s0 =	rddreg [dreg:$0x0];
	s2 =	stileid.u32  }
0x6c: {  	s1 =	rddreg [dreg:$0x1];
	p0 =	sne.s32 s2, $0x0  }
0x6d: {  	s3 =	rddreg [dreg:$0x2];
	[bflag:$0x3] =	sbarrier.arrive $0xFFFF;
	s2 =	simm.s32 @!p0 $0x1C0B  }
0x6e: {  	[timem:s3], [sflag:s2] =	dma.local @!p0 [hbm:s0], s1  }
0x6f: {  	s0 =	simm.s32 @!p0 $0xB  }
0x70: {  	_ =	swait.ge @!p0 [sflag:s0], s1  }
0x71: {  	s1 =	ssub.s32 @!p0 $0x0, s1;
	[sflag:s0] =	ssyncset.done @!p0 $0x0  }
0x72: {  	[sflag:s0] =	ssyncadd.s32 @!p0 s1  }
0x73: {  	[bflag:$0x3] =	sbarrier.arrive $0xFFFF  }
0x74: {  	_ =	shalt  }

</sc_bundles>
